<compile_context>
chip_gen: v7x
topology: tpu7x:2x2x1
jax: 0.10.2.dev20260603
libtpu: 0.0.44.dev20260713+nightly
codegen_flags: <defaults>
</compile_context>

<pallas_src>
import functools

import jax
import jax.numpy as jnp
from jax import lax
from jax.experimental import pallas as pl
from jax.experimental.pallas import tpu as pltpu
from jax.experimental.pallas import tpu_sc as plsc

N = 10000
NP = 10240
E = 320000
DF = 128
DH = 128
DC = 64
NC = 2
NS = 16
NW = NC * NS
EPT = E // NW
CH = 100
NCHUNK = EPT // CH
SEG = 25
NSEG = NCHUNK // SEG
RPT = NP // NS
DEGW = 128

_MESH = plsc.VectorSubcoreMesh(core_axis_name="c", subcore_axis_name="s")



def _deg_body(dst_hbm, ones_hbm, z_hbm, out_hbm, dst_v, ones_v, acc_sh, sem):
    c = lax.axis_index("c")
    s = lax.axis_index("s")
    w = c * NS + s
    r0 = s * RPT
    pltpu.sync_copy(z_hbm.at[pl.ds(r0, RPT)], acc_sh.at[pl.ds(r0, RPT)])
    pltpu.sync_copy(ones_hbm, ones_v)
    pltpu.sync_copy(dst_hbm.at[w], dst_v)
    plsc.subcore_barrier()

    @pl.loop(0, NCHUNK)
    def _(j):
        pltpu.sync_copy(ones_v, acc_sh.at[dst_v.at[j]], add=True)

    plsc.subcore_barrier()
    pltpu.sync_copy(acc_sh.at[pl.ds(r0, RPT)], out_hbm.at[c, pl.ds(r0, RPT)])


def _degree(dst, ones, zeros):
    return pl.kernel(
        _deg_body,
        out_type=jax.ShapeDtypeStruct((NC, NP, DEGW), jnp.float32),
        mesh=_MESH,
        scratch_types=[
            pltpu.VMEM((NCHUNK, CH), jnp.int32),
            pltpu.VMEM((CH, DEGW), jnp.float32),
            pltpu.VMEM_SHARED((NP, DEGW), jnp.float32),
            pltpu.SemaphoreType.DMA,
        ],
    )(dst, ones, zeros)


def _prop_body(src_hbm, dst_hbm, h_hbm, z_hbm, out_hbm,
               src_v, dst_v, rows0_v, rows1_v, acc_sh, sem0, sem1):
    c = lax.axis_index("c")
    s = lax.axis_index("s")
    w = c * NS + s
    r0 = s * RPT

    @pl.when(c == 0)
    def _():
        pltpu.sync_copy(h_hbm.at[pl.ds(r0, RPT)], acc_sh.at[pl.ds(r0, RPT)])

    @pl.when(c != 0)
    def _():
        pltpu.sync_copy(z_hbm.at[pl.ds(r0, RPT)], acc_sh.at[pl.ds(r0, RPT)])

    plsc.subcore_barrier()

    def gat(j, buf, sem):
        return pltpu.make_async_copy(h_hbm.at[src_v.at[j]], buf, sem)

    @pl.loop(0, NSEG)
    def _(g):
        pltpu.sync_copy(src_hbm.at[w, g], src_v)
        pltpu.sync_copy(dst_hbm.at[w, g], dst_v)
        gat(0, rows0_v, sem0).start()

        @pl.loop(0, SEG - 1, step=2)
        def _(j):
            gat(j + 1, rows1_v, sem1).start()
            gat(j, rows0_v, sem0).wait()
            pltpu.sync_copy(rows0_v, acc_sh.at[dst_v.at[j]], add=True)
            gat(j + 2, rows0_v, sem0).start()
            gat(j + 1, rows1_v, sem1).wait()
            pltpu.sync_copy(rows1_v, acc_sh.at[dst_v.at[j + 1]], add=True)

        gat(SEG - 1, rows0_v, sem0).wait()
        pltpu.sync_copy(rows0_v, acc_sh.at[dst_v.at[SEG - 1]], add=True)

    plsc.subcore_barrier()
    pltpu.sync_copy(acc_sh.at[pl.ds(r0, RPT)], out_hbm.at[c, pl.ds(r0, RPT)])


def _propagate(src, dst, h, zeros, d):
    return pl.kernel(
        _prop_body,
        out_type=jax.ShapeDtypeStruct((NC, NP, d), jnp.float32),
        mesh=_MESH,
        scratch_types=[
            pltpu.VMEM((SEG, CH), jnp.int32),
            pltpu.VMEM((SEG, CH), jnp.int32),
            pltpu.VMEM((CH, d), jnp.float32),
            pltpu.VMEM((CH, d), jnp.float32),
            pltpu.VMEM_SHARED((NP, d), jnp.float32),
            pltpu.SemaphoreType.DMA,
            pltpu.SemaphoreType.DMA,
        ],
    )(src, dst, h, zeros)



_BLK = 1024


def _dinv(deg_ref):
    return lax.rsqrt(1.0 + deg_ref[0, :, 0] + deg_ref[1, :, 0])


def _mm1_body(deg_ref, x_ref, w_ref, h_ref):
    dinv = _dinv(deg_ref)
    h = jnp.dot(x_ref[...], w_ref[...], preferred_element_type=jnp.float32,
                precision=lax.Precision.HIGHEST)
    h_ref[...] = h * dinv[:, None]


def _mm2_body(deg_ref, a_ref, b1_ref, w2_ref, h2_ref):
    dinv = _dinv(deg_ref)
    z = jnp.maximum((a_ref[0] + a_ref[1]) * dinv[:, None] + b1_ref[...], 0.0)
    h2 = jnp.dot(z, w2_ref[...], preferred_element_type=jnp.float32,
                 precision=lax.Precision.HIGHEST)
    h2_ref[...] = h2 * dinv[:, None]


def _fin_body(deg_ref, a_ref, b2_ref, o_ref):
    dinv = _dinv(deg_ref)
    o_ref[...] = (a_ref[0, :, :DC] + a_ref[1, :, :DC]) * dinv[:, None] + b2_ref[...]


def _deg_spec():
    return pl.BlockSpec((NC, _BLK, DEGW), lambda i: (0, i, 0))


def _mm1(deg, x, W1):
    return pl.pallas_call(
        _mm1_body,
        grid=(NP // _BLK,),
        in_specs=[
            _deg_spec(),
            pl.BlockSpec((_BLK, DF), lambda i: (i, 0)),
            pl.BlockSpec((DF, DH), lambda i: (0, 0)),
        ],
        out_specs=pl.BlockSpec((_BLK, DH), lambda i: (i, 0)),
        out_shape=jax.ShapeDtypeStruct((NP, DH), jnp.float32),
    )(deg, x, W1)


def _mm2(deg, acc1, b1, W2):
    return pl.pallas_call(
        _mm2_body,
        grid=(NP // _BLK,),
        in_specs=[
            _deg_spec(),
            pl.BlockSpec((NC, _BLK, DH), lambda i: (0, i, 0)),
            pl.BlockSpec((1, DH), lambda i: (0, 0)),
            pl.BlockSpec((DH, DH), lambda i: (0, 0)),
        ],
        out_specs=pl.BlockSpec((_BLK, DH), lambda i: (i, 0)),
        out_shape=jax.ShapeDtypeStruct((NP, DH), jnp.float32),
    )(deg, acc1, b1, W2)


def _fin(deg, acc2, b2):
    return pl.pallas_call(
        _fin_body,
        grid=(NP // _BLK,),
        in_specs=[
            _deg_spec(),
            pl.BlockSpec((NC, _BLK, DH), lambda i: (0, i, 0)),
            pl.BlockSpec((1, DC), lambda i: (0, 0)),
        ],
        out_specs=pl.BlockSpec((_BLK, DC), lambda i: (i, 0)),
        out_shape=jax.ShapeDtypeStruct((NP, DC), jnp.float32),
    )(deg, acc2, b2)



def kernel(x, edge_index, W1, b1, W2, b2):
    ei = edge_index.astype(jnp.int32)
    src = ei[0].reshape(NW, NCHUNK, CH)
    dst = ei[1].reshape(NW, NCHUNK, CH)
    src4 = ei[0].reshape(NW, NSEG, SEG, CH)
    dst4 = ei[1].reshape(NW, NSEG, SEG, CH)
    ones = jnp.ones((CH, DEGW), jnp.float32)
    z128 = jnp.zeros((NP, DH), jnp.float32)
    xp = jnp.pad(x, ((0, NP - N), (0, 0)))
    W2p = jnp.pad(W2, ((0, 0), (0, DH - DC)))

    deg = _degree(dst, ones, z128)
    h1 = _mm1(deg, xp, W1)
    acc1 = _propagate(src4, dst4, h1, z128, DH)
    h2 = _mm2(deg, acc1, b1.reshape(1, DH), W2p)
    acc2 = _propagate(src4, dst4, h2, z128, DH)
    return _fin(deg, acc2, b2.reshape(1, DC))[:N]

# --- scband reference (transcript-rebuilt; emitter-appended) ---
"""Pipeline reference for scband-gcn-9723805958218 (READ-ONLY COPY).

The authoritative reference and input builder live on the scoring server;
editing this copy changes nothing except your own understanding.
"""

import jax, jax.numpy as jnp
import numpy as np

N_NODES = 10000
N_EDGES = 320000
D_FEAT = 128
D_HID = 128
D_CLASS = 64


def gcn_conv(x, edge_index, W, b):
    N = x.shape[0]
    src = edge_index[0]
    dst = edge_index[1]
    loop = jnp.arange(N, dtype=edge_index.dtype)
    src = jnp.concatenate([src, loop])
    dst = jnp.concatenate([dst, loop])
    deg = jnp.zeros((N,), dtype=x.dtype).at[dst].add(1.0)
    dinv = jnp.where(deg > 0, 1.0 / jnp.sqrt(deg), 0.0)
    norm = dinv[src] * dinv[dst]
    h = x @ W
    msg = h[src] * norm[:, None]
    out = jnp.zeros((N, h.shape[1]), dtype=x.dtype).at[dst].add(msg)
    return out + b


def setup_inputs(seed: int = 0) -> dict:
    key = jax.random.key(seed)
    k1, k2, k3, k4, k5 = jax.random.split(key, 5)
    x = jax.random.normal(k1, (N_NODES, D_FEAT), dtype=jnp.float32)
    edge_index = jax.random.randint(k2, (2, N_EDGES), 0, N_NODES, dtype=jnp.int64)
    s1 = 1.0 / np.sqrt(D_FEAT)
    s2 = 1.0 / np.sqrt(D_HID)
    W1 = jax.random.uniform(k3, (D_FEAT, D_HID), dtype=jnp.float32, minval=-s1, maxval=s1)
    b1 = jnp.zeros((D_HID,), dtype=jnp.float32)
    W2 = jax.random.uniform(k4, (D_HID, D_CLASS), dtype=jnp.float32, minval=-s2, maxval=s2)
    b2 = jnp.zeros((D_CLASS,), dtype=jnp.float32)
    return {"x": x, "edge_index": edge_index, "W1": W1, "b1": b1, "W2": W2, "b2": b2}


def reference(x, edge_index, W1, b1, W2, b2):
    # task == 'transductive': x = relu(conv1(x, ei)); dropout is identity in eval
    h = gcn_conv(x, edge_index, W1, b1)
    h = jax.nn.relu(h)
    out = gcn_conv(h, edge_index, W2, b2)
    return out

if __name__ == "__main__":
    import jax
    _d = setup_inputs()
    print(jax.jit(kernel)(*tuple(_d.values())))

</pallas_src>

<mosaic_0001>
#map = affine_map<(d0, d1) -> (0, 0, 0, 0)>
#map1 = affine_map<(d0, d1) -> (0, 0)>
#map2 = affine_map<(d0, d1) -> (0, 0, 0)>
module attributes {stable_mosaic.version = 14 : i64} {
  func.func @_prop_body(%arg0: i32, %arg1: i32, %arg2: memref<32x4x25x100xi32, #tpu.memory_space<hbm>>, %arg3: memref<32x4x25x100xi32, #tpu.memory_space<hbm>>, %arg4: memref<10240x128xf32, #tpu.memory_space<hbm>>, %arg5: memref<10240x128xf32, #tpu.memory_space<hbm>>, %arg6: memref<2x10240x128xf32, #tpu.memory_space<hbm>>, %arg7: memref<25x100xi32, #tpu.memory_space<vmem>>, %arg8: memref<25x100xi32, #tpu.memory_space<vmem>>, %arg9: memref<100x128xf32, #tpu.memory_space<vmem>>, %arg10: memref<100x128xf32, #tpu.memory_space<vmem>>, %arg11: memref<10240x128xf32, #tpu.memory_space<vmem_shared>>, %arg12: memref<!tpu.dma_semaphore, #tpu.memory_space<semaphore_mem>>, %arg13: memref<!tpu.dma_semaphore, #tpu.memory_space<semaphore_mem>>) attributes {dimension_semantics = [#tpu.dimension_semantics<core_parallel>, #tpu.dimension_semantics<subcore_parallel>], iteration_bounds = array<i64: 2, 16>, scalar_prefetch = 0 : i64, scratch_operands = 7 : i64, tpu.core_type = #tpu.core_type<sc_vector_subcore>, window_params = [{transform_indices = #map}, {transform_indices = #map}, {transform_indices = #map1}, {transform_indices = #map1}, {transform_indices = #map2}]} {
    %mul3A = arith.constant 16 : i32
    %mul3A_0 = arith.muli %arg0, %mul3A : i32
    %add3A = arith.addi %mul3A_0, %arg1 : i32
    %mul3A_1 = arith.constant 640 : i32
    %mul3A_2 = arith.muli %arg1, %mul3A_1 : i32
    %eq3A = arith.constant 0 : i32
    %eq3A_3 = arith.cmpi eq, %arg0, %eq3A : i32
    %convert_element_type3A = arith.extui %eq3A_3 : i1 to i32
    %cond3A = arith.constant 0 : i32
    %cond3A_4 = arith.cmpi ne, %convert_element_type3A, %cond3A : i32
    scf.if %cond3A_4 {
      "tpu.region"() ({
        %run_scoped3A = tpu.sem_alloc : memref<!tpu.dma_semaphore, #tpu.memory_space<semaphore_mem>>
        %dma_start3A = arith.constant 0 : i32
        %dma_start3A_14 = tpu.memref_slice %arg11[%mul3A_2, %dma_start3A] : memref<10240x128xf32, #tpu.memory_space<vmem_shared>> -> memref<640x128xf32, #tpu.memory_space<vmem_shared>>
        %dma_start3A_15 = arith.constant 0 : i32
        %dma_start3A_16 = tpu.memref_slice %arg4[%mul3A_2, %dma_start3A_15] : memref<10240x128xf32, #tpu.memory_space<hbm>> -> memref<640x128xf32, #tpu.memory_space<hbm>>
        tpu.enqueue_dma source(%dma_start3A_16 : memref<640x128xf32, #tpu.memory_space<hbm>>) target(%dma_start3A_14 : memref<640x128xf32, #tpu.memory_space<vmem_shared>>) target_semaphore(%run_scoped3A : memref<!tpu.dma_semaphore, #tpu.memory_space<semaphore_mem>>)
        %dma_wait3A = arith.constant 0 : i32
        %dma_wait3A_17 = tpu.memref_slice %arg11[%mul3A_2, %dma_wait3A] : memref<10240x128xf32, #tpu.memory_space<vmem_shared>> -> memref<640x128xf32, #tpu.memory_space<vmem_shared>>
        %dma_wait3A_18 = arith.constant 0 : i32
        %dma_wait3A_19 = tpu.memref_slice %arg4[%mul3A_2, %dma_wait3A_18] : memref<10240x128xf32, #tpu.memory_space<hbm>> -> memref<640x128xf32, #tpu.memory_space<hbm>>
        tpu.wait_dma2 semaphore(%run_scoped3A : memref<!tpu.dma_semaphore, #tpu.memory_space<semaphore_mem>>) src(%dma_wait3A_19 : memref<640x128xf32, #tpu.memory_space<hbm>>) dst(%dma_wait3A_17 : memref<640x128xf32, #tpu.memory_space<vmem_shared>>)
        tpu.yield
      }) : () -> ()
    } else {
    }
    %ne3A = arith.constant 0 : i32
    %ne3A_5 = arith.cmpi ne, %arg0, %ne3A : i32
    %convert_element_type3A_6 = arith.extui %ne3A_5 : i1 to i32
    %cond3A_7 = arith.constant 0 : i32
    %cond3A_8 = arith.cmpi ne, %convert_element_type3A_6, %cond3A_7 : i32
    scf.if %cond3A_8 {
      "tpu.region"() ({
        %run_scoped3A = tpu.sem_alloc : memref<!tpu.dma_semaphore, #tpu.memory_space<semaphore_mem>>
        %dma_start3A = arith.constant 0 : i32
        %dma_start3A_14 = tpu.memref_slice %arg11[%mul3A_2, %dma_start3A] : memref<10240x128xf32, #tpu.memory_space<vmem_shared>> -> memref<640x128xf32, #tpu.memory_space<vmem_shared>>
        %dma_start3A_15 = arith.constant 0 : i32
        %dma_start3A_16 = tpu.memref_slice %arg5[%mul3A_2, %dma_start3A_15] : memref<10240x128xf32, #tpu.memory_space<hbm>> -> memref<640x128xf32, #tpu.memory_space<hbm>>
        tpu.enqueue_dma source(%dma_start3A_16 : memref<640x128xf32, #tpu.memory_space<hbm>>) target(%dma_start3A_14 : memref<640x128xf32, #tpu.memory_space<vmem_shared>>) target_semaphore(%run_scoped3A : memref<!tpu.dma_semaphore, #tpu.memory_space<semaphore_mem>>)
        %dma_wait3A = arith.constant 0 : i32
        %dma_wait3A_17 = tpu.memref_slice %arg11[%mul3A_2, %dma_wait3A] : memref<10240x128xf32, #tpu.memory_space<vmem_shared>> -> memref<640x128xf32, #tpu.memory_space<vmem_shared>>
        %dma_wait3A_18 = arith.constant 0 : i32
        %dma_wait3A_19 = tpu.memref_slice %arg5[%mul3A_2, %dma_wait3A_18] : memref<10240x128xf32, #tpu.memory_space<hbm>> -> memref<640x128xf32, #tpu.memory_space<hbm>>
        tpu.wait_dma2 semaphore(%run_scoped3A : memref<!tpu.dma_semaphore, #tpu.memory_space<semaphore_mem>>) src(%dma_wait3A_19 : memref<640x128xf32, #tpu.memory_space<hbm>>) dst(%dma_wait3A_17 : memref<640x128xf32, #tpu.memory_space<vmem_shared>>)
        tpu.yield
      }) : () -> ()
    } else {
    }
    %barrier3A = arith.constant 0 : index
    tpu.barrier barrier_id(%barrier3A)
    %scan3A = arith.constant 0 : i32
    %scan3A_9 = arith.constant 4 : i32
    %scan3A_10 = arith.addi %scan3A, %scan3A_9 : i32
    %scan3A_11 = arith.constant 1 : i32
    scf.for %scan3A_14 = %scan3A to %scan3A_10 step %scan3A_11  : i32 {
      %mul3A_15 = arith.constant 1 : i32
      %mul3A_16 = arith.muli %scan3A_14, %mul3A_15 : i32
      %add3A_17 = arith.constant 0 : i32
      %add3A_18 = arith.addi %add3A_17, %mul3A_16 : i32
      "tpu.region"() ({
        %run_scoped3A_36 = tpu.sem_alloc : memref<!tpu.dma_semaphore, #tpu.memory_space<semaphore_mem>>
        %dma_start3A_37 = arith.constant 0 : i32
        %dma_start3A_38 = arith.constant 0 : i32
        %dma_start3A_39 = tpu.memref_slice %arg2[%add3A, %add3A_18, %dma_start3A_37, %dma_start3A_38] : memref<32x4x25x100xi32, #tpu.memory_space<hbm>> -> memref<1x1x25x100xi32, #tpu.memory_space<hbm>>
        %dma_start3A_40 = tpu.memref_squeeze %dma_start3A_39 : memref<1x1x25x100xi32, #tpu.memory_space<hbm>> -> memref<25x100xi32, #tpu.memory_space<hbm>>
        %dma_start3A_41 = arith.constant 0 : i32
        %dma_start3A_42 = arith.constant 0 : i32
        %dma_start3A_43 = tpu.memref_slice %arg2[%add3A, %add3A_18, %dma_start3A_41, %dma_start3A_42] : memref<32x4x25x100xi32, #tpu.memory_space<hbm>> -> memref<1x1x25x100xi32, #tpu.memory_space<hbm>>
        %dma_start3A_44 = tpu.memref_squeeze %dma_start3A_43 : memref<1x1x25x100xi32, #tpu.memory_space<hbm>> -> memref<25x100xi32, #tpu.memory_space<hbm>>
        tpu.enqueue_dma source(%dma_start3A_44 : memref<25x100xi32, #tpu.memory_space<hbm>>) target(%arg7 : memref<25x100xi32, #tpu.memory_space<vmem>>) target_semaphore(%run_scoped3A_36 : memref<!tpu.dma_semaphore, #tpu.memory_space<semaphore_mem>>)
        %dma_wait3A_45 = arith.constant 0 : i32
        %dma_wait3A_46 = arith.constant 0 : i32
        %dma_wait3A_47 = tpu.memref_slice %arg2[%add3A, %add3A_18, %dma_wait3A_45, %dma_wait3A_46] : memref<32x4x25x100xi32, #tpu.memory_space<hbm>> -> memref<1x1x25x100xi32, #tpu.memory_space<hbm>>
        %dma_wait3A_48 = tpu.memref_squeeze %dma_wait3A_47 : memref<1x1x25x100xi32, #tpu.memory_space<hbm>> -> memref<25x100xi32, #tpu.memory_space<hbm>>
        %dma_wait3A_49 = arith.constant 0 : i32
        %dma_wait3A_50 = arith.constant 0 : i32
        %dma_wait3A_51 = tpu.memref_slice %arg2[%add3A, %add3A_18, %dma_wait3A_49, %dma_wait3A_50] : memref<32x4x25x100xi32, #tpu.memory_space<hbm>> -> memref<1x1x25x100xi32, #tpu.memory_space<hbm>>
        %dma_wait3A_52 = tpu.memref_squeeze %dma_wait3A_51 : memref<1x1x25x100xi32, #tpu.memory_space<hbm>> -> memref<25x100xi32, #tpu.memory_space<hbm>>
        tpu.wait_dma2 semaphore(%run_scoped3A_36 : memref<!tpu.dma_semaphore, #tpu.memory_space<semaphore_mem>>) src(%dma_wait3A_52 : memref<25x100xi32, #tpu.memory_space<hbm>>) dst(%arg7 : memref<25x100xi32, #tpu.memory_space<vmem>>)
        tpu.yield
      }) : () -> ()
      "tpu.region"() ({
        %run_scoped3A_36 = tpu.sem_alloc : memref<!tpu.dma_semaphore, #tpu.memory_space<semaphore_mem>>
        %dma_start3A_37 = arith.constant 0 : i32
        %dma_start3A_38 = arith.constant 0 : i32
        %dma_start3A_39 = tpu.memref_slice %arg3[%add3A, %add3A_18, %dma_start3A_37, %dma_start3A_38] : memref<32x4x25x100xi32, #tpu.memory_space<hbm>> -> memref<1x1x25x100xi32, #tpu.memory_space<hbm>>
        %dma_start3A_40 = tpu.memref_squeeze %dma_start3A_39 : memref<1x1x25x100xi32, #tpu.memory_space<hbm>> -> memref<25x100xi32, #tpu.memory_space<hbm>>
        %dma_start3A_41 = arith.constant 0 : i32
        %dma_start3A_42 = arith.constant 0 : i32
        %dma_start3A_43 = tpu.memref_slice %arg3[%add3A, %add3A_18, %dma_start3A_41, %dma_start3A_42] : memref<32x4x25x100xi32, #tpu.memory_space<hbm>> -> memref<1x1x25x100xi32, #tpu.memory_space<hbm>>
        %dma_start3A_44 = tpu.memref_squeeze %dma_start3A_43 : memref<1x1x25x100xi32, #tpu.memory_space<hbm>> -> memref<25x100xi32, #tpu.memory_space<hbm>>
        tpu.enqueue_dma source(%dma_start3A_44 : memref<25x100xi32, #tpu.memory_space<hbm>>) target(%arg8 : memref<25x100xi32, #tpu.memory_space<vmem>>) target_semaphore(%run_scoped3A_36 : memref<!tpu.dma_semaphore, #tpu.memory_space<semaphore_mem>>)
        %dma_wait3A_45 = arith.constant 0 : i32
        %dma_wait3A_46 = arith.constant 0 : i32
        %dma_wait3A_47 = tpu.memref_slice %arg3[%add3A, %add3A_18, %dma_wait3A_45, %dma_wait3A_46] : memref<32x4x25x100xi32, #tpu.memory_space<hbm>> -> memref<1x1x25x100xi32, #tpu.memory_space<hbm>>
        %dma_wait3A_48 = tpu.memref_squeeze %dma_wait3A_47 : memref<1x1x25x100xi32, #tpu.memory_space<hbm>> -> memref<25x100xi32, #tpu.memory_space<hbm>>
        %dma_wait3A_49 = arith.constant 0 : i32
        %dma_wait3A_50 = arith.constant 0 : i32
        %dma_wait3A_51 = tpu.memref_slice %arg3[%add3A, %add3A_18, %dma_wait3A_49, %dma_wait3A_50] : memref<32x4x25x100xi32, #tpu.memory_space<hbm>> -> memref<1x1x25x100xi32, #tpu.memory_space<hbm>>
        %dma_wait3A_52 = tpu.memref_squeeze %dma_wait3A_51 : memref<1x1x25x100xi32, #tpu.memory_space<hbm>> -> memref<25x100xi32, #tpu.memory_space<hbm>>
        tpu.wait_dma2 semaphore(%run_scoped3A_36 : memref<!tpu.dma_semaphore, #tpu.memory_space<semaphore_mem>>) src(%dma_wait3A_52 : memref<25x100xi32, #tpu.memory_space<hbm>>) dst(%arg8 : memref<25x100xi32, #tpu.memory_space<vmem>>)
        tpu.yield
      }) : () -> ()
      %dma_start3A = arith.constant 0 : i32
      %dma_start3A_19 = arith.constant 0 : i32
      %dma_start3A_20 = tpu.memref_slice %arg7[%dma_start3A, %dma_start3A_19] : memref<25x100xi32, #tpu.memory_space<vmem>> -> memref<1x100xi32, #tpu.memory_space<vmem>>
      %dma_start3A_21 = tpu.memref_squeeze %dma_start3A_20 : memref<1x100xi32, #tpu.memory_space<vmem>> -> memref<100xi32, #tpu.memory_space<vmem>>
      %dma_start3A_22 = arith.constant 0 : i32
      %dma_start3A_23 = arith.constant 0 : i32
      %dma_start3A_24 = tpu.memref_slice %arg4[%dma_start3A_22, %dma_start3A_23] : memref<10240x128xf32, #tpu.memory_space<hbm>> -> memref<10240x128xf32, #tpu.memory_space<hbm>>
      tpu.enqueue_indirect_dma source(%dma_start3A_24 : memref<10240x128xf32, #tpu.memory_space<hbm>>) target(%arg9 : memref<100x128xf32, #tpu.memory_space<vmem>>) offsets(%dma_start3A_21 : memref<100xi32, #tpu.memory_space<vmem>>) semaphore(%arg12 : memref<!tpu.dma_semaphore, #tpu.memory_space<semaphore_mem>>)
      %scan3A_25 = arith.constant 0 : i32
      %scan3A_26 = arith.constant 12 : i32
      %scan3A_27 = arith.addi %scan3A_25, %scan3A_26 : i32
      %scan3A_28 = arith.constant 1 : i32
      scf.for %scan3A_36 = %scan3A_25 to %scan3A_27 step %scan3A_28  : i32 {
        %mul3A_37 = arith.constant 2 : i32
        %mul3A_38 = arith.muli %scan3A_36, %mul3A_37 : i32
        %add3A_39 = arith.constant 0 : i32
        %add3A_40 = arith.addi %add3A_39, %mul3A_38 : i32
        %add3A_41 = arith.constant 1 : i32
        %add3A_42 = arith.addi %add3A_40, %add3A_41 : i32
        %dma_start3A_43 = arith.constant 0 : i32
        %dma_start3A_44 = tpu.memref_slice %arg7[%add3A_42, %dma_start3A_43] : memref<25x100xi32, #tpu.memory_space<vmem>> -> memref<1x100xi32, #tpu.memory_space<vmem>>
        %dma_start3A_45 = tpu.memref_squeeze %dma_start3A_44 : memref<1x100xi32, #tpu.memory_space<vmem>> -> memref<100xi32, #tpu.memory_space<vmem>>
        %dma_start3A_46 = arith.constant 0 : i32
        %dma_start3A_47 = arith.constant 0 : i32
        %dma_start3A_48 = tpu.memref_slice %arg4[%dma_start3A_46, %dma_start3A_47] : memref<10240x128xf32, #tpu.memory_space<hbm>> -> memref<10240x128xf32, #tpu.memory_space<hbm>>
        tpu.enqueue_indirect_dma source(%dma_start3A_48 : memref<10240x128xf32, #tpu.memory_space<hbm>>) target(%arg10 : memref<100x128xf32, #tpu.memory_space<vmem>>) offsets(%dma_start3A_45 : memref<100xi32, #tpu.memory_space<vmem>>) semaphore(%arg13 : memref<!tpu.dma_semaphore, #tpu.memory_space<semaphore_mem>>)
        %dma_wait3A_49 = arith.constant 0 : i32
        %dma_wait3A_50 = tpu.memref_slice %arg7[%add3A_40, %dma_wait3A_49] : memref<25x100xi32, #tpu.memory_space<vmem>> -> memref<1x100xi32, #tpu.memory_space<vmem>>
        %dma_wait3A_51 = tpu.memref_squeeze %dma_wait3A_50 : memref<1x100xi32, #tpu.memory_space<vmem>> -> memref<100xi32, #tpu.memory_space<vmem>>
        %dma_wait3A_52 = arith.constant 0 : i32
        %dma_wait3A_53 = arith.constant 0 : i32
        %dma_wait3A_54 = tpu.memref_slice %arg4[%dma_wait3A_52, %dma_wait3A_53] : memref<10240x128xf32, #tpu.memory_space<hbm>> -> memref<10240x128xf32, #tpu.memory_space<hbm>>
        tpu.wait_indirect_dma semaphore(%arg12 : memref<!tpu.dma_semaphore, #tpu.memory_space<semaphore_mem>>) src(%dma_wait3A_54 : memref<10240x128xf32, #tpu.memory_space<hbm>>) dst(%arg9 : memref<100x128xf32, #tpu.memory_space<vmem>>)
        "tpu.region"() ({
          %run_scoped3A_73 = tpu.sem_alloc : memref<!tpu.dma_semaphore, #tpu.memory_space<semaphore_mem>>
          %dma_start3A_74 = arith.constant 0 : i32
          %dma_start3A_75 = tpu.memref_slice %arg8[%add3A_40, %dma_start3A_74] : memref<25x100xi32, #tpu.memory_space<vmem>> -> memref<1x100xi32, #tpu.memory_space<vmem>>
          %dma_start3A_76 = tpu.memref_squeeze %dma_start3A_75 : memref<1x100xi32, #tpu.memory_space<vmem>> -> memref<100xi32, #tpu.memory_space<vmem>>
          %dma_start3A_77 = arith.constant 0 : i32
          %dma_start3A_78 = arith.constant 0 : i32
          %dma_start3A_79 = tpu.memref_slice %arg11[%dma_start3A_77, %dma_start3A_78] : memref<10240x128xf32, #tpu.memory_space<vmem_shared>> -> memref<10240x128xf32, #tpu.memory_space<vmem_shared>>
          tpu.enqueue_indirect_dma source(%arg9 : memref<100x128xf32, #tpu.memory_space<vmem>>) target(%dma_start3A_79 : memref<10240x128xf32, #tpu.memory_space<vmem_shared>>) offsets(%dma_start3A_76 : memref<100xi32, #tpu.memory_space<vmem>>) semaphore(%run_scoped3A_73 : memref<!tpu.dma_semaphore, #tpu.memory_space<semaphore_mem>>) {add = true}
          %dma_wait3A_80 = arith.constant 0 : i32
          %dma_wait3A_81 = tpu.memref_slice %arg8[%add3A_40, %dma_wait3A_80] : memref<25x100xi32, #tpu.memory_space<vmem>> -> memref<1x100xi32, #tpu.memory_space<vmem>>
          %dma_wait3A_82 = tpu.memref_squeeze %dma_wait3A_81 : memref<1x100xi32, #tpu.memory_space<vmem>> -> memref<100xi32, #tpu.memory_space<vmem>>
          %dma_wait3A_83 = arith.constant 0 : i32
          %dma_wait3A_84 = arith.constant 0 : i32
          %dma_wait3A_85 = tpu.memref_slice %arg11[%dma_wait3A_83, %dma_wait3A_84] : memref<10240x128xf32, #tpu.memory_space<vmem_shared>> -> memref<10240x128xf32, #tpu.memory_space<vmem_shared>>
          tpu.wait_indirect_dma semaphore(%run_scoped3A_73 : memref<!tpu.dma_semaphore, #tpu.memory_space<semaphore_mem>>) src(%arg9 : memref<100x128xf32, #tpu.memory_space<vmem>>) dst(%dma_wait3A_85 : memref<10240x128xf32, #tpu.memory_space<vmem_shared>>)
          tpu.yield
        }) : () -> ()
        %add3A_55 = arith.constant 2 : i32
        %add3A_56 = arith.addi %add3A_40, %add3A_55 : i32
        %dma_start3A_57 = arith.constant 0 : i32
        %dma_start3A_58 = tpu.memref_slice %arg7[%add3A_56, %dma_start3A_57] : memref<25x100xi32, #tpu.memory_space<vmem>> -> memref<1x100xi32, #tpu.memory_space<vmem>>
        %dma_start3A_59 = tpu.memref_squeeze %dma_start3A_58 : memref<1x100xi32, #tpu.memory_space<vmem>> -> memref<100xi32, #tpu.memory_space<vmem>>
        %dma_start3A_60 = arith.constant 0 : i32
        %dma_start3A_61 = arith.constant 0 : i32
        %dma_start3A_62 = tpu.memref_slice %arg4[%dma_start3A_60, %dma_start3A_61] : memref<10240x128xf32, #tpu.memory_space<hbm>> -> memref<10240x128xf32, #tpu.memory_space<hbm>>
        tpu.enqueue_indirect_dma source(%dma_start3A_62 : memref<10240x128xf32, #tpu.memory_space<hbm>>) target(%arg9 : memref<100x128xf32, #tpu.memory_space<vmem>>) offsets(%dma_start3A_59 : memref<100xi32, #tpu.memory_space<vmem>>) semaphore(%arg12 : memref<!tpu.dma_semaphore, #tpu.memory_space<semaphore_mem>>)
        %add3A_63 = arith.constant 1 : i32
        %add3A_64 = arith.addi %add3A_40, %add3A_63 : i32
        %dma_wait3A_65 = arith.constant 0 : i32
        %dma_wait3A_66 = tpu.memref_slice %arg7[%add3A_64, %dma_wait3A_65] : memref<25x100xi32, #tpu.memory_space<vmem>> -> memref<1x100xi32, #tpu.memory_space<vmem>>
        %dma_wait3A_67 = tpu.memref_squeeze %dma_wait3A_66 : memref<1x100xi32, #tpu.memory_space<vmem>> -> memref<100xi32, #tpu.memory_space<vmem>>
        %dma_wait3A_68 = arith.constant 0 : i32
        %dma_wait3A_69 = arith.constant 0 : i32
        %dma_wait3A_70 = tpu.memref_slice %arg4[%dma_wait3A_68, %dma_wait3A_69] : memref<10240x128xf32, #tpu.memory_space<hbm>> -> memref<10240x128xf32, #tpu.memory_space<hbm>>
        tpu.wait_indirect_dma semaphore(%arg13 : memref<!tpu.dma_semaphore, #tpu.memory_space<semaphore_mem>>) src(%dma_wait3A_70 : memref<10240x128xf32, #tpu.memory_space<hbm>>) dst(%arg10 : memref<100x128xf32, #tpu.memory_space<vmem>>)
        %add3A_71 = arith.constant 1 : i32
        %add3A_72 = arith.addi %add3A_40, %add3A_71 : i32
        "tpu.region"() ({
          %run_scoped3A_73 = tpu.sem_alloc : memref<!tpu.dma_semaphore, #tpu.memory_space<semaphore_mem>>
          %dma_start3A_74 = arith.constant 0 : i32
          %dma_start3A_75 = tpu.memref_slice %arg8[%add3A_72, %dma_start3A_74] : memref<25x100xi32, #tpu.memory_space<vmem>> -> memref<1x100xi32, #tpu.memory_space<vmem>>
          %dma_start3A_76 = tpu.memref_squeeze %dma_start3A_75 : memref<1x100xi32, #tpu.memory_space<vmem>> -> memref<100xi32, #tpu.memory_space<vmem>>
          %dma_start3A_77 = arith.constant 0 : i32
          %dma_start3A_78 = arith.constant 0 : i32
          %dma_start3A_79 = tpu.memref_slice %arg11[%dma_start3A_77, %dma_start3A_78] : memref<10240x128xf32, #tpu.memory_space<vmem_shared>> -> memref<10240x128xf32, #tpu.memory_space<vmem_shared>>
          tpu.enqueue_indirect_dma source(%arg10 : memref<100x128xf32, #tpu.memory_space<vmem>>) target(%dma_start3A_79 : memref<10240x128xf32, #tpu.memory_space<vmem_shared>>) offsets(%dma_start3A_76 : memref<100xi32, #tpu.memory_space<vmem>>) semaphore(%run_scoped3A_73 : memref<!tpu.dma_semaphore, #tpu.memory_space<semaphore_mem>>) {add = true}
          %dma_wait3A_80 = arith.constant 0 : i32
          %dma_wait3A_81 = tpu.memref_slice %arg8[%add3A_72, %dma_wait3A_80] : memref<25x100xi32, #tpu.memory_space<vmem>> -> memref<1x100xi32, #tpu.memory_space<vmem>>
          %dma_wait3A_82 = tpu.memref_squeeze %dma_wait3A_81 : memref<1x100xi32, #tpu.memory_space<vmem>> -> memref<100xi32, #tpu.memory_space<vmem>>
          %dma_wait3A_83 = arith.constant 0 : i32
          %dma_wait3A_84 = arith.constant 0 : i32
          %dma_wait3A_85 = tpu.memref_slice %arg11[%dma_wait3A_83, %dma_wait3A_84] : memref<10240x128xf32, #tpu.memory_space<vmem_shared>> -> memref<10240x128xf32, #tpu.memory_space<vmem_shared>>
          tpu.wait_indirect_dma semaphore(%run_scoped3A_73 : memref<!tpu.dma_semaphore, #tpu.memory_space<semaphore_mem>>) src(%arg10 : memref<100x128xf32, #tpu.memory_space<vmem>>) dst(%dma_wait3A_85 : memref<10240x128xf32, #tpu.memory_space<vmem_shared>>)
          tpu.yield
        }) : () -> ()
      }
      %scan3A_29 = arith.constant 12 : i32
      %dma_wait3A = arith.constant 24 : i32
      %dma_wait3A_30 = arith.constant 0 : i32
      %dma_wait3A_31 = tpu.memref_slice %arg7[%dma_wait3A, %dma_wait3A_30] : memref<25x100xi32, #tpu.memory_space<vmem>> -> memref<1x100xi32, #tpu.memory_space<vmem>>
      %dma_wait3A_32 = tpu.memref_squeeze %dma_wait3A_31 : memref<1x100xi32, #tpu.memory_space<vmem>> -> memref<100xi32, #tpu.memory_space<vmem>>
      %dma_wait3A_33 = arith.constant 0 : i32
      %dma_wait3A_34 = arith.constant 0 : i32
      %dma_wait3A_35 = tpu.memref_slice %arg4[%dma_wait3A_33, %dma_wait3A_34] : memref<10240x128xf32, #tpu.memory_space<hbm>> -> memref<10240x128xf32, #tpu.memory_space<hbm>>
      tpu.wait_indirect_dma semaphore(%arg12 : memref<!tpu.dma_semaphore, #tpu.memory_space<semaphore_mem>>) src(%dma_wait3A_35 : memref<10240x128xf32, #tpu.memory_space<hbm>>) dst(%arg9 : memref<100x128xf32, #tpu.memory_space<vmem>>)
      %run_scoped3A = arith.constant 24 : i32
      "tpu.region"() ({
        %run_scoped3A_36 = tpu.sem_alloc : memref<!tpu.dma_semaphore, #tpu.memory_space<semaphore_mem>>
        %dma_start3A_37 = arith.constant 0 : i32
        %dma_start3A_38 = tpu.memref_slice %arg8[%run_scoped3A, %dma_start3A_37] : memref<25x100xi32, #tpu.memory_space<vmem>> -> memref<1x100xi32, #tpu.memory_space<vmem>>
        %dma_start3A_39 = tpu.memref_squeeze %dma_start3A_38 : memref<1x100xi32, #tpu.memory_space<vmem>> -> memref<100xi32, #tpu.memory_space<vmem>>
        %dma_start3A_40 = arith.constant 0 : i32
        %dma_start3A_41 = arith.constant 0 : i32
        %dma_start3A_42 = tpu.memref_slice %arg11[%dma_start3A_40, %dma_start3A_41] : memref<10240x128xf32, #tpu.memory_space<vmem_shared>> -> memref<10240x128xf32, #tpu.memory_space<vmem_shared>>
        tpu.enqueue_indirect_dma source(%arg9 : memref<100x128xf32, #tpu.memory_space<vmem>>) target(%dma_start3A_42 : memref<10240x128xf32, #tpu.memory_space<vmem_shared>>) offsets(%dma_start3A_39 : memref<100xi32, #tpu.memory_space<vmem>>) semaphore(%run_scoped3A_36 : memref<!tpu.dma_semaphore, #tpu.memory_space<semaphore_mem>>) {add = true}
        %dma_wait3A_43 = arith.constant 0 : i32
        %dma_wait3A_44 = tpu.memref_slice %arg8[%run_scoped3A, %dma_wait3A_43] : memref<25x100xi32, #tpu.memory_space<vmem>> -> memref<1x100xi32, #tpu.memory_space<vmem>>
        %dma_wait3A_45 = tpu.memref_squeeze %dma_wait3A_44 : memref<1x100xi32, #tpu.memory_space<vmem>> -> memref<100xi32, #tpu.memory_space<vmem>>
        %dma_wait3A_46 = arith.constant 0 : i32
        %dma_wait3A_47 = arith.constant 0 : i32
        %dma_wait3A_48 = tpu.memref_slice %arg11[%dma_wait3A_46, %dma_wait3A_47] : memref<10240x128xf32, #tpu.memory_space<vmem_shared>> -> memref<10240x128xf32, #tpu.memory_space<vmem_shared>>
        tpu.wait_indirect_dma semaphore(%run_scoped3A_36 : memref<!tpu.dma_semaphore, #tpu.memory_space<semaphore_mem>>) src(%arg9 : memref<100x128xf32, #tpu.memory_space<vmem>>) dst(%dma_wait3A_48 : memref<10240x128xf32, #tpu.memory_space<vmem_shared>>)
        tpu.yield
      }) : () -> ()
    }
    %scan3A_12 = arith.constant 4 : i32
    %barrier3A_13 = arith.constant 0 : index
    tpu.barrier barrier_id(%barrier3A_13)
    "tpu.region"() ({
      %run_scoped3A = tpu.sem_alloc : memref<!tpu.dma_semaphore, #tpu.memory_space<semaphore_mem>>
      %dma_start3A = arith.constant 0 : i32
      %dma_start3A_14 = tpu.memref_slice %arg6[%arg0, %mul3A_2, %dma_start3A] : memref<2x10240x128xf32, #tpu.memory_space<hbm>> -> memref<1x640x128xf32, #tpu.memory_space<hbm>>
      %dma_start3A_15 = tpu.memref_squeeze %dma_start3A_14 : memref<1x640x128xf32, #tpu.memory_space<hbm>> -> memref<640x128xf32, #tpu.memory_space<hbm>>
      %dma_start3A_16 = arith.constant 0 : i32
      %dma_start3A_17 = tpu.memref_slice %arg11[%mul3A_2, %dma_start3A_16] : memref<10240x128xf32, #tpu.memory_space<vmem_shared>> -> memref<640x128xf32, #tpu.memory_space<vmem_shared>>
      tpu.enqueue_dma source(%dma_start3A_17 : memref<640x128xf32, #tpu.memory_space<vmem_shared>>) target(%dma_start3A_15 : memref<640x128xf32, #tpu.memory_space<hbm>>) target_semaphore(%run_scoped3A : memref<!tpu.dma_semaphore, #tpu.memory_space<semaphore_mem>>)
      %dma_wait3A = arith.constant 0 : i32
      %dma_wait3A_18 = tpu.memref_slice %arg6[%arg0, %mul3A_2, %dma_wait3A] : memref<2x10240x128xf32, #tpu.memory_space<hbm>> -> memref<1x640x128xf32, #tpu.memory_space<hbm>>
      %dma_wait3A_19 = tpu.memref_squeeze %dma_wait3A_18 : memref<1x640x128xf32, #tpu.memory_space<hbm>> -> memref<640x128xf32, #tpu.memory_space<hbm>>
      %dma_wait3A_20 = arith.constant 0 : i32
      %dma_wait3A_21 = tpu.memref_slice %arg11[%mul3A_2, %dma_wait3A_20] : memref<10240x128xf32, #tpu.memory_space<vmem_shared>> -> memref<640x128xf32, #tpu.memory_space<vmem_shared>>
      tpu.wait_dma2 semaphore(%run_scoped3A : memref<!tpu.dma_semaphore, #tpu.memory_space<semaphore_mem>>) src(%dma_wait3A_21 : memref<640x128xf32, #tpu.memory_space<vmem_shared>>) dst(%dma_wait3A_19 : memref<640x128xf32, #tpu.memory_space<hbm>>)
      tpu.yield
    }) : () -> ()
    return
  }
}

#map = affine_map<(d0, d1) -> (0, 0, 0)>
#map1 = affine_map<(d0, d1) -> (0, 0)>
module attributes {stable_mosaic.version = 14 : i64} {
  func.func @_deg_body(%arg0: i32, %arg1: i32, %arg2: memref<32x100x100xi32, #tpu.memory_space<hbm>>, %arg3: memref<100x128xf32, #tpu.memory_space<hbm>>, %arg4: memref<10240x128xf32, #tpu.memory_space<hbm>>, %arg5: memref<2x10240x128xf32, #tpu.memory_space<hbm>>, %arg6: memref<100x100xi32, #tpu.memory_space<vmem>>, %arg7: memref<100x128xf32, #tpu.memory_space<vmem>>, %arg8: memref<10240x128xf32, #tpu.memory_space<vmem_shared>>, %arg9: memref<!tpu.dma_semaphore, #tpu.memory_space<semaphore_mem>>) attributes {dimension_semantics = [#tpu.dimension_semantics<core_parallel>, #tpu.dimension_semantics<subcore_parallel>], iteration_bounds = array<i64: 2, 16>, scalar_prefetch = 0 : i64, scratch_operands = 4 : i64, tpu.core_type = #tpu.core_type<sc_vector_subcore>, window_params = [{transform_indices = #map}, {transform_indices = #map1}, {transform_indices = #map1}, {transform_indices = #map}]} {
    %mul3A = arith.constant 16 : i32
    %mul3A_0 = arith.muli %arg0, %mul3A : i32
    %add3A = arith.addi %mul3A_0, %arg1 : i32
    %mul3A_1 = arith.constant 640 : i32
    %mul3A_2 = arith.muli %arg1, %mul3A_1 : i32
    "tpu.region"() ({
      %run_scoped3A = tpu.sem_alloc : memref<!tpu.dma_semaphore, #tpu.memory_space<semaphore_mem>>
      %dma_start3A = arith.constant 0 : i32
      %dma_start3A_8 = tpu.memref_slice %arg8[%mul3A_2, %dma_start3A] : memref<10240x128xf32, #tpu.memory_space<vmem_shared>> -> memref<640x128xf32, #tpu.memory_space<vmem_shared>>
      %dma_start3A_9 = arith.constant 0 : i32
      %dma_start3A_10 = tpu.memref_slice %arg4[%mul3A_2, %dma_start3A_9] : memref<10240x128xf32, #tpu.memory_space<hbm>> -> memref<640x128xf32, #tpu.memory_space<hbm>>
      tpu.enqueue_dma source(%dma_start3A_10 : memref<640x128xf32, #tpu.memory_space<hbm>>) target(%dma_start3A_8 : memref<640x128xf32, #tpu.memory_space<vmem_shared>>) target_semaphore(%run_scoped3A : memref<!tpu.dma_semaphore, #tpu.memory_space<semaphore_mem>>)
      %dma_wait3A = arith.constant 0 : i32
      %dma_wait3A_11 = tpu.memref_slice %arg8[%mul3A_2, %dma_wait3A] : memref<10240x128xf32, #tpu.memory_space<vmem_shared>> -> memref<640x128xf32, #tpu.memory_space<vmem_shared>>
      %dma_wait3A_12 = arith.constant 0 : i32
      %dma_wait3A_13 = tpu.memref_slice %arg4[%mul3A_2, %dma_wait3A_12] : memref<10240x128xf32, #tpu.memory_space<hbm>> -> memref<640x128xf32, #tpu.memory_space<hbm>>
      tpu.wait_dma2 semaphore(%run_scoped3A : memref<!tpu.dma_semaphore, #tpu.memory_space<semaphore_mem>>) src(%dma_wait3A_13 : memref<640x128xf32, #tpu.memory_space<hbm>>) dst(%dma_wait3A_11 : memref<640x128xf32, #tpu.memory_space<vmem_shared>>)
      tpu.yield
    }) : () -> ()
    "tpu.region"() ({
      %run_scoped3A = tpu.sem_alloc : memref<!tpu.dma_semaphore, #tpu.memory_space<semaphore_mem>>
      tpu.enqueue_dma source(%arg3 : memref<100x128xf32, #tpu.memory_space<hbm>>) target(%arg7 : memref<100x128xf32, #tpu.memory_space<vmem>>) target_semaphore(%run_scoped3A : memref<!tpu.dma_semaphore, #tpu.memory_space<semaphore_mem>>)
      tpu.wait_dma2 semaphore(%run_scoped3A : memref<!tpu.dma_semaphore, #tpu.memory_space<semaphore_mem>>) src(%arg3 : memref<100x128xf32, #tpu.memory_space<hbm>>) dst(%arg7 : memref<100x128xf32, #tpu.memory_space<vmem>>)
      tpu.yield
    }) : () -> ()
    "tpu.region"() ({
      %run_scoped3A = tpu.sem_alloc : memref<!tpu.dma_semaphore, #tpu.memory_space<semaphore_mem>>
      %dma_start3A = arith.constant 0 : i32
      %dma_start3A_8 = arith.constant 0 : i32
      %dma_start3A_9 = tpu.memref_slice %arg2[%add3A, %dma_start3A, %dma_start3A_8] : memref<32x100x100xi32, #tpu.memory_space<hbm>> -> memref<1x100x100xi32, #tpu.memory_space<hbm>>
      %dma_start3A_10 = tpu.memref_squeeze %dma_start3A_9 : memref<1x100x100xi32, #tpu.memory_space<hbm>> -> memref<100x100xi32, #tpu.memory_space<hbm>>
      %dma_start3A_11 = arith.constant 0 : i32
      %dma_start3A_12 = arith.constant 0 : i32
      %dma_start3A_13 = tpu.memref_slice %arg2[%add3A, %dma_start3A_11, %dma_start3A_12] : memref<32x100x100xi32, #tpu.memory_space<hbm>> -> memref<1x100x100xi32, #tpu.memory_space<hbm>>
      %dma_start3A_14 = tpu.memref_squeeze %dma_start3A_13 : memref<1x100x100xi32, #tpu.memory_space<hbm>> -> memref<100x100xi32, #tpu.memory_space<hbm>>
      tpu.enqueue_dma source(%dma_start3A_14 : memref<100x100xi32, #tpu.memory_space<hbm>>) target(%arg6 : memref<100x100xi32, #tpu.memory_space<vmem>>) target_semaphore(%run_scoped3A : memref<!tpu.dma_semaphore, #tpu.memory_space<semaphore_mem>>)
      %dma_wait3A = arith.constant 0 : i32
      %dma_wait3A_15 = arith.constant 0 : i32
      %dma_wait3A_16 = tpu.memref_slice %arg2[%add3A, %dma_wait3A, %dma_wait3A_15] : memref<32x100x100xi32, #tpu.memory_space<hbm>> -> memref<1x100x100xi32, #tpu.memory_space<hbm>>
      %dma_wait3A_17 = tpu.memref_squeeze %dma_wait3A_16 : memref<1x100x100xi32, #tpu.memory_space<hbm>> -> memref<100x100xi32, #tpu.memory_space<hbm>>
      %dma_wait3A_18 = arith.constant 0 : i32
      %dma_wait3A_19 = arith.constant 0 : i32
      %dma_wait3A_20 = tpu.memref_slice %arg2[%add3A, %dma_wait3A_18, %dma_wait3A_19] : memref<32x100x100xi32, #tpu.memory_space<hbm>> -> memref<1x100x100xi32, #tpu.memory_space<hbm>>
      %dma_wait3A_21 = tpu.memref_squeeze %dma_wait3A_20 : memref<1x100x100xi32, #tpu.memory_space<hbm>> -> memref<100x100xi32, #tpu.memory_space<hbm>>
      tpu.wait_dma2 semaphore(%run_scoped3A : memref<!tpu.dma_semaphore, #tpu.memory_space<semaphore_mem>>) src(%dma_wait3A_21 : memref<100x100xi32, #tpu.memory_space<hbm>>) dst(%arg6 : memref<100x100xi32, #tpu.memory_space<vmem>>)
      tpu.yield
    }) : () -> ()
    %barrier3A = arith.constant 0 : index
    tpu.barrier barrier_id(%barrier3A)
    %scan3A = arith.constant 0 : i32
    %scan3A_3 = arith.constant 100 : i32
    %scan3A_4 = arith.addi %scan3A, %scan3A_3 : i32
    %scan3A_5 = arith.constant 1 : i32
    scf.for %scan3A_8 = %scan3A to %scan3A_4 step %scan3A_5  : i32 {
      %mul3A_9 = arith.constant 1 : i32
      %mul3A_10 = arith.muli %scan3A_8, %mul3A_9 : i32
      %add3A_11 = arith.constant 0 : i32
      %add3A_12 = arith.addi %add3A_11, %mul3A_10 : i32
      "tpu.region"() ({
        %run_scoped3A = tpu.sem_alloc : memref<!tpu.dma_semaphore, #tpu.memory_space<semaphore_mem>>
        %dma_start3A = arith.constant 0 : i32
        %dma_start3A_13 = tpu.memref_slice %arg6[%add3A_12, %dma_start3A] : memref<100x100xi32, #tpu.memory_space<vmem>> -> memref<1x100xi32, #tpu.memory_space<vmem>>
        %dma_start3A_14 = tpu.memref_squeeze %dma_start3A_13 : memref<1x100xi32, #tpu.memory_space<vmem>> -> memref<100xi32, #tpu.memory_space<vmem>>
        %dma_start3A_15 = arith.constant 0 : i32
        %dma_start3A_16 = arith.constant 0 : i32
        %dma_start3A_17 = tpu.memref_slice %arg8[%dma_start3A_15, %dma_start3A_16] : memref<10240x128xf32, #tpu.memory_space<vmem_shared>> -> memref<10240x128xf32, #tpu.memory_space<vmem_shared>>
        tpu.enqueue_indirect_dma source(%arg7 : memref<100x128xf32, #tpu.memory_space<vmem>>) target(%dma_start3A_17 : memref<10240x128xf32, #tpu.memory_space<vmem_shared>>) offsets(%dma_start3A_14 : memref<100xi32, #tpu.memory_space<vmem>>) semaphore(%run_scoped3A : memref<!tpu.dma_semaphore, #tpu.memory_space<semaphore_mem>>) {add = true}
        %dma_wait3A = arith.constant 0 : i32
        %dma_wait3A_18 = tpu.memref_slice %arg6[%add3A_12, %dma_wait3A] : memref<100x100xi32, #tpu.memory_space<vmem>> -> memref<1x100xi32, #tpu.memory_space<vmem>>
        %dma_wait3A_19 = tpu.memref_squeeze %dma_wait3A_18 : memref<1x100xi32, #tpu.memory_space<vmem>> -> memref<100xi32, #tpu.memory_space<vmem>>
        %dma_wait3A_20 = arith.constant 0 : i32
        %dma_wait3A_21 = arith.constant 0 : i32
        %dma_wait3A_22 = tpu.memref_slice %arg8[%dma_wait3A_20, %dma_wait3A_21] : memref<10240x128xf32, #tpu.memory_space<vmem_shared>> -> memref<10240x128xf32, #tpu.memory_space<vmem_shared>>
        tpu.wait_indirect_dma semaphore(%run_scoped3A : memref<!tpu.dma_semaphore, #tpu.memory_space<semaphore_mem>>) src(%arg7 : memref<100x128xf32, #tpu.memory_space<vmem>>) dst(%dma_wait3A_22 : memref<10240x128xf32, #tpu.memory_space<vmem_shared>>)
        tpu.yield
      }) : () -> ()
    }
    %scan3A_6 = arith.constant 100 : i32
    %barrier3A_7 = arith.constant 0 : index
    tpu.barrier barrier_id(%barrier3A_7)
    "tpu.region"() ({
      %run_scoped3A = tpu.sem_alloc : memref<!tpu.dma_semaphore, #tpu.memory_space<semaphore_mem>>
      %dma_start3A = arith.constant 0 : i32
      %dma_start3A_8 = tpu.memref_slice %arg5[%arg0, %mul3A_2, %dma_start3A] : memref<2x10240x128xf32, #tpu.memory_space<hbm>> -> memref<1x640x128xf32, #tpu.memory_space<hbm>>
      %dma_start3A_9 = tpu.memref_squeeze %dma_start3A_8 : memref<1x640x128xf32, #tpu.memory_space<hbm>> -> memref<640x128xf32, #tpu.memory_space<hbm>>
      %dma_start3A_10 = arith.constant 0 : i32
      %dma_start3A_11 = tpu.memref_slice %arg8[%mul3A_2, %dma_start3A_10] : memref<10240x128xf32, #tpu.memory_space<vmem_shared>> -> memref<640x128xf32, #tpu.memory_space<vmem_shared>>
      tpu.enqueue_dma source(%dma_start3A_11 : memref<640x128xf32, #tpu.memory_space<vmem_shared>>) target(%dma_start3A_9 : memref<640x128xf32, #tpu.memory_space<hbm>>) target_semaphore(%run_scoped3A : memref<!tpu.dma_semaphore, #tpu.memory_space<semaphore_mem>>)
      %dma_wait3A = arith.constant 0 : i32
      %dma_wait3A_12 = tpu.memref_slice %arg5[%arg0, %mul3A_2, %dma_wait3A] : memref<2x10240x128xf32, #tpu.memory_space<hbm>> -> memref<1x640x128xf32, #tpu.memory_space<hbm>>
      %dma_wait3A_13 = tpu.memref_squeeze %dma_wait3A_12 : memref<1x640x128xf32, #tpu.memory_space<hbm>> -> memref<640x128xf32, #tpu.memory_space<hbm>>
      %dma_wait3A_14 = arith.constant 0 : i32
      %dma_wait3A_15 = tpu.memref_slice %arg8[%mul3A_2, %dma_wait3A_14] : memref<10240x128xf32, #tpu.memory_space<vmem_shared>> -> memref<640x128xf32, #tpu.memory_space<vmem_shared>>
      tpu.wait_dma2 semaphore(%run_scoped3A : memref<!tpu.dma_semaphore, #tpu.memory_space<semaphore_mem>>) src(%dma_wait3A_15 : memref<640x128xf32, #tpu.memory_space<vmem_shared>>) dst(%dma_wait3A_13 : memref<640x128xf32, #tpu.memory_space<hbm>>)
      tpu.yield
    }) : () -> ()
    return
  }
}

#map = affine_map<(d0, d1) -> (0, 0, 0, 0)>
#map1 = affine_map<(d0, d1) -> (0, 0)>
#map2 = affine_map<(d0, d1) -> (0, 0, 0)>
module attributes {stable_mosaic.version = 14 : i64} {
  func.func @_prop_body(%arg0: i32, %arg1: i32, %arg2: memref<32x4x25x100xi32, #tpu.memory_space<hbm>>, %arg3: memref<32x4x25x100xi32, #tpu.memory_space<hbm>>, %arg4: memref<10240x128xf32, #tpu.memory_space<hbm>>, %arg5: memref<10240x128xf32, #tpu.memory_space<hbm>>, %arg6: memref<2x10240x128xf32, #tpu.memory_space<hbm>>, %arg7: memref<25x100xi32, #tpu.memory_space<vmem>>, %arg8: memref<25x100xi32, #tpu.memory_space<vmem>>, %arg9: memref<100x128xf32, #tpu.memory_space<vmem>>, %arg10: memref<100x128xf32, #tpu.memory_space<vmem>>, %arg11: memref<10240x128xf32, #tpu.memory_space<vmem_shared>>, %arg12: memref<!tpu.dma_semaphore, #tpu.memory_space<semaphore_mem>>, %arg13: memref<!tpu.dma_semaphore, #tpu.memory_space<semaphore_mem>>) attributes {dimension_semantics = [#tpu.dimension_semantics<core_parallel>, #tpu.dimension_semantics<subcore_parallel>], iteration_bounds = array<i64: 2, 16>, scalar_prefetch = 0 : i64, scratch_operands = 7 : i64, tpu.core_type = #tpu.core_type<sc_vector_subcore>, window_params = [{transform_indices = #map}, {transform_indices = #map}, {transform_indices = #map1}, {transform_indices = #map1}, {transform_indices = #map2}]} {
    %mul3A = arith.constant 16 : i32
    %mul3A_0 = arith.muli %arg0, %mul3A : i32
    %add3A = arith.addi %mul3A_0, %arg1 : i32
    %mul3A_1 = arith.constant 640 : i32
    %mul3A_2 = arith.muli %arg1, %mul3A_1 : i32
    %eq3A = arith.constant 0 : i32
    %eq3A_3 = arith.cmpi eq, %arg0, %eq3A : i32
    %convert_element_type3A = arith.extui %eq3A_3 : i1 to i32
    %cond3A = arith.constant 0 : i32
    %cond3A_4 = arith.cmpi ne, %convert_element_type3A, %cond3A : i32
    scf.if %cond3A_4 {
      "tpu.region"() ({
        %run_scoped3A = tpu.sem_alloc : memref<!tpu.dma_semaphore, #tpu.memory_space<semaphore_mem>>
        %dma_start3A = arith.constant 0 : i32
        %dma_start3A_14 = tpu.memref_slice %arg11[%mul3A_2, %dma_start3A] : memref<10240x128xf32, #tpu.memory_space<vmem_shared>> -> memref<640x128xf32, #tpu.memory_space<vmem_shared>>
        %dma_start3A_15 = arith.constant 0 : i32
        %dma_start3A_16 = tpu.memref_slice %arg4[%mul3A_2, %dma_start3A_15] : memref<10240x128xf32, #tpu.memory_space<hbm>> -> memref<640x128xf32, #tpu.memory_space<hbm>>
        tpu.enqueue_dma source(%dma_start3A_16 : memref<640x128xf32, #tpu.memory_space<hbm>>) target(%dma_start3A_14 : memref<640x128xf32, #tpu.memory_space<vmem_shared>>) target_semaphore(%run_scoped3A : memref<!tpu.dma_semaphore, #tpu.memory_space<semaphore_mem>>)
        %dma_wait3A = arith.constant 0 : i32
        %dma_wait3A_17 = tpu.memref_slice %arg11[%mul3A_2, %dma_wait3A] : memref<10240x128xf32, #tpu.memory_space<vmem_shared>> -> memref<640x128xf32, #tpu.memory_space<vmem_shared>>
        %dma_wait3A_18 = arith.constant 0 : i32
        %dma_wait3A_19 = tpu.memref_slice %arg4[%mul3A_2, %dma_wait3A_18] : memref<10240x128xf32, #tpu.memory_space<hbm>> -> memref<640x128xf32, #tpu.memory_space<hbm>>
        tpu.wait_dma2 semaphore(%run_scoped3A : memref<!tpu.dma_semaphore, #tpu.memory_space<semaphore_mem>>) src(%dma_wait3A_19 : memref<640x128xf32, #tpu.memory_space<hbm>>) dst(%dma_wait3A_17 : memref<640x128xf32, #tpu.memory_space<vmem_shared>>)
        tpu.yield
      }) : () -> ()
    } else {
    }
    %ne3A = arith.constant 0 : i32
    %ne3A_5 = arith.cmpi ne, %arg0, %ne3A : i32
    %convert_element_type3A_6 = arith.extui %ne3A_5 : i1 to i32
    %cond3A_7 = arith.constant 0 : i32
    %cond3A_8 = arith.cmpi ne, %convert_element_type3A_6, %cond3A_7 : i32
    scf.if %cond3A_8 {
      "tpu.region"() ({
        %run_scoped3A = tpu.sem_alloc : memref<!tpu.dma_semaphore, #tpu.memory_space<semaphore_mem>>
        %dma_start3A = arith.constant 0 : i32
        %dma_start3A_14 = tpu.memref_slice %arg11[%mul3A_2, %dma_start3A] : memref<10240x128xf32, #tpu.memory_space<vmem_shared>> -> memref<640x128xf32, #tpu.memory_space<vmem_shared>>
        %dma_start3A_15 = arith.constant 0 : i32
        %dma_start3A_16 = tpu.memref_slice %arg5[%mul3A_2, %dma_start3A_15] : memref<10240x128xf32, #tpu.memory_space<hbm>> -> memref<640x128xf32, #tpu.memory_space<hbm>>
        tpu.enqueue_dma source(%dma_start3A_16 : memref<640x128xf32, #tpu.memory_space<hbm>>) target(%dma_start3A_14 : memref<640x128xf32, #tpu.memory_space<vmem_shared>>) target_semaphore(%run_scoped3A : memref<!tpu.dma_semaphore, #tpu.memory_space<semaphore_mem>>)
        %dma_wait3A = arith.constant 0 : i32
        %dma_wait3A_17 = tpu.memref_slice %arg11[%mul3A_2, %dma_wait3A] : memref<10240x128xf32, #tpu.memory_space<vmem_shared>> -> memref<640x128xf32, #tpu.memory_space<vmem_shared>>
        %dma_wait3A_18 = arith.constant 0 : i32
        %dma_wait3A_19 = tpu.memref_slice %arg5[%mul3A_2, %dma_wait3A_18] : memref<10240x128xf32, #tpu.memory_space<hbm>> -> memref<640x128xf32, #tpu.memory_space<hbm>>
        tpu.wait_dma2 semaphore(%run_scoped3A : memref<!tpu.dma_semaphore, #tpu.memory_space<semaphore_mem>>) src(%dma_wait3A_19 : memref<640x128xf32, #tpu.memory_space<hbm>>) dst(%dma_wait3A_17 : memref<640x128xf32, #tpu.memory_space<vmem_shared>>)
        tpu.yield
      }) : () -> ()
    } else {
    }
    %barrier3A = arith.constant 0 : index
    tpu.barrier barrier_id(%barrier3A)
    %scan3A = arith.constant 0 : i32
    %scan3A_9 = arith.constant 4 : i32
    %scan3A_10 = arith.addi %scan3A, %scan3A_9 : i32
    %scan3A_11 = arith.constant 1 : i32
    scf.for %scan3A_14 = %scan3A to %scan3A_10 step %scan3A_11  : i32 {
      %mul3A_15 = arith.constant 1 : i32
      %mul3A_16 = arith.muli %scan3A_14, %mul3A_15 : i32
      %add3A_17 = arith.constant 0 : i32
      %add3A_18 = arith.addi %add3A_17, %mul3A_16 : i32
      "tpu.region"() ({
        %run_scoped3A_36 = tpu.sem_alloc : memref<!tpu.dma_semaphore, #tpu.memory_space<semaphore_mem>>
        %dma_start3A_37 = arith.constant 0 : i32
        %dma_start3A_38 = arith.constant 0 : i32
        %dma_start3A_39 = tpu.memref_slice %arg2[%add3A, %add3A_18, %dma_start3A_37, %dma_start3A_38] : memref<32x4x25x100xi32, #tpu.memory_space<hbm>> -> memref<1x1x25x100xi32, #tpu.memory_space<hbm>>
        %dma_start3A_40 = tpu.memref_squeeze %dma_start3A_39 : memref<1x1x25x100xi32, #tpu.memory_space<hbm>> -> memref<25x100xi32, #tpu.memory_space<hbm>>
        %dma_start3A_41 = arith.constant 0 : i32
        %dma_start3A_42 = arith.constant 0 : i32
        %dma_start3A_43 = tpu.memref_slice %arg2[%add3A, %add3A_18, %dma_start3A_41, %dma_start3A_42] : memref<32x4x25x100xi32, #tpu.memory_space<hbm>> -> memref<1x1x25x100xi32, #tpu.memory_space<hbm>>
        %dma_start3A_44 = tpu.memref_squeeze %dma_start3A_43 : memref<1x1x25x100xi32, #tpu.memory_space<hbm>> -> memref<25x100xi32, #tpu.memory_space<hbm>>
        tpu.enqueue_dma source(%dma_start3A_44 : memref<25x100xi32, #tpu.memory_space<hbm>>) target(%arg7 : memref<25x100xi32, #tpu.memory_space<vmem>>) target_semaphore(%run_scoped3A_36 : memref<!tpu.dma_semaphore, #tpu.memory_space<semaphore_mem>>)
        %dma_wait3A_45 = arith.constant 0 : i32
        %dma_wait3A_46 = arith.constant 0 : i32
        %dma_wait3A_47 = tpu.memref_slice %arg2[%add3A, %add3A_18, %dma_wait3A_45, %dma_wait3A_46] : memref<32x4x25x100xi32, #tpu.memory_space<hbm>> -> memref<1x1x25x100xi32, #tpu.memory_space<hbm>>
        %dma_wait3A_48 = tpu.memref_squeeze %dma_wait3A_47 : memref<1x1x25x100xi32, #tpu.memory_space<hbm>> -> memref<25x100xi32, #tpu.memory_space<hbm>>
        %dma_wait3A_49 = arith.constant 0 : i32
        %dma_wait3A_50 = arith.constant 0 : i32
        %dma_wait3A_51 = tpu.memref_slice %arg2[%add3A, %add3A_18, %dma_wait3A_49, %dma_wait3A_50] : memref<32x4x25x100xi32, #tpu.memory_space<hbm>> -> memref<1x1x25x100xi32, #tpu.memory_space<hbm>>
        %dma_wait3A_52 = tpu.memref_squeeze %dma_wait3A_51 : memref<1x1x25x100xi32, #tpu.memory_space<hbm>> -> memref<25x100xi32, #tpu.memory_space<hbm>>
        tpu.wait_dma2 semaphore(%run_scoped3A_36 : memref<!tpu.dma_semaphore, #tpu.memory_space<semaphore_mem>>) src(%dma_wait3A_52 : memref<25x100xi32, #tpu.memory_space<hbm>>) dst(%arg7 : memref<25x100xi32, #tpu.memory_space<vmem>>)
        tpu.yield
      }) : () -> ()
      "tpu.region"() ({
        %run_scoped3A_36 = tpu.sem_alloc : memref<!tpu.dma_semaphore, #tpu.memory_space<semaphore_mem>>
        %dma_start3A_37 = arith.constant 0 : i32
        %dma_start3A_38 = arith.constant 0 : i32
        %dma_start3A_39 = tpu.memref_slice %arg3[%add3A, %add3A_18, %dma_start3A_37, %dma_start3A_38] : memref<32x4x25x100xi32, #tpu.memory_space<hbm>> -> memref<1x1x25x100xi32, #tpu.memory_space<hbm>>
        %dma_start3A_40 = tpu.memref_squeeze %dma_start3A_39 : memref<1x1x25x100xi32, #tpu.memory_space<hbm>> -> memref<25x100xi32, #tpu.memory_space<hbm>>
        %dma_start3A_41 = arith.constant 0 : i32
        %dma_start3A_42 = arith.constant 0 : i32
        %dma_start3A_43 = tpu.memref_slice %arg3[%add3A, %add3A_18, %dma_start3A_41, %dma_start3A_42] : memref<32x4x25x100xi32, #tpu.memory_space<hbm>> -> memref<1x1x25x100xi32, #tpu.memory_space<hbm>>
        %dma_start3A_44 = tpu.memref_squeeze %dma_start3A_43 : memref<1x1x25x100xi32, #tpu.memory_space<hbm>> -> memref<25x100xi32, #tpu.memory_space<hbm>>
        tpu.enqueue_dma source(%dma_start3A_44 : memref<25x100xi32, #tpu.memory_space<hbm>>) target(%arg8 : memref<25x100xi32, #tpu.memory_space<vmem>>) target_semaphore(%run_scoped3A_36 : memref<!tpu.dma_semaphore, #tpu.memory_space<semaphore_mem>>)
        %dma_wait3A_45 = arith.constant 0 : i32
        %dma_wait3A_46 = arith.constant 0 : i32
        %dma_wait3A_47 = tpu.memref_slice %arg3[%add3A, %add3A_18, %dma_wait3A_45, %dma_wait3A_46] : memref<32x4x25x100xi32, #tpu.memory_space<hbm>> -> memref<1x1x25x100xi32, #tpu.memory_space<hbm>>
        %dma_wait3A_48 = tpu.memref_squeeze %dma_wait3A_47 : memref<1x1x25x100xi32, #tpu.memory_space<hbm>> -> memref<25x100xi32, #tpu.memory_space<hbm>>
        %dma_wait3A_49 = arith.constant 0 : i32
        %dma_wait3A_50 = arith.constant 0 : i32
        %dma_wait3A_51 = tpu.memref_slice %arg3[%add3A, %add3A_18, %dma_wait3A_49, %dma_wait3A_50] : memref<32x4x25x100xi32, #tpu.memory_space<hbm>> -> memref<1x1x25x100xi32, #tpu.memory_space<hbm>>
        %dma_wait3A_52 = tpu.memref_squeeze %dma_wait3A_51 : memref<1x1x25x100xi32, #tpu.memory_space<hbm>> -> memref<25x100xi32, #tpu.memory_space<hbm>>
        tpu.wait_dma2 semaphore(%run_scoped3A_36 : memref<!tpu.dma_semaphore, #tpu.memory_space<semaphore_mem>>) src(%dma_wait3A_52 : memref<25x100xi32, #tpu.memory_space<hbm>>) dst(%arg8 : memref<25x100xi32, #tpu.memory_space<vmem>>)
        tpu.yield
      }) : () -> ()
      %dma_start3A = arith.constant 0 : i32
      %dma_start3A_19 = arith.constant 0 : i32
      %dma_start3A_20 = tpu.memref_slice %arg7[%dma_start3A, %dma_start3A_19] : memref<25x100xi32, #tpu.memory_space<vmem>> -> memref<1x100xi32, #tpu.memory_space<vmem>>
      %dma_start3A_21 = tpu.memref_squeeze %dma_start3A_20 : memref<1x100xi32, #tpu.memory_space<vmem>> -> memref<100xi32, #tpu.memory_space<vmem>>
      %dma_start3A_22 = arith.constant 0 : i32
      %dma_start3A_23 = arith.constant 0 : i32
      %dma_start3A_24 = tpu.memref_slice %arg4[%dma_start3A_22, %dma_start3A_23] : memref<10240x128xf32, #tpu.memory_space<hbm>> -> memref<10240x128xf32, #tpu.memory_space<hbm>>
      tpu.enqueue_indirect_dma source(%dma_start3A_24 : memref<10240x128xf32, #tpu.memory_space<hbm>>) target(%arg9 : memref<100x128xf32, #tpu.memory_space<vmem>>) offsets(%dma_start3A_21 : memref<100xi32, #tpu.memory_space<vmem>>) semaphore(%arg12 : memref<!tpu.dma_semaphore, #tpu.memory_space<semaphore_mem>>)
      %scan3A_25 = arith.constant 0 : i32
      %scan3A_26 = arith.constant 12 : i32
      %scan3A_27 = arith.addi %scan3A_25, %scan3A_26 : i32
      %scan3A_28 = arith.constant 1 : i32
      scf.for %scan3A_36 = %scan3A_25 to %scan3A_27 step %scan3A_28  : i32 {
        %mul3A_37 = arith.constant 2 : i32
        %mul3A_38 = arith.muli %scan3A_36, %mul3A_37 : i32
        %add3A_39 = arith.constant 0 : i32
        %add3A_40 = arith.addi %add3A_39, %mul3A_38 : i32
        %add3A_41 = arith.constant 1 : i32
        %add3A_42 = arith.addi %add3A_40, %add3A_41 : i32
        %dma_start3A_43 = arith.constant 0 : i32
        %dma_start3A_44 = tpu.memref_slice %arg7[%add3A_42, %dma_start3A_43] : memref<25x100xi32, #tpu.memory_space<vmem>> -> memref<1x100xi32, #tpu.memory_space<vmem>>
        %dma_start3A_45 = tpu.memref_squeeze %dma_start3A_44 : memref<1x100xi32, #tpu.memory_space<vmem>> -> memref<100xi32, #tpu.memory_space<vmem>>
        %dma_start3A_46 = arith.constant 0 : i32
        %dma_start3A_47 = arith.constant 0 : i32
        %dma_start3A_48 = tpu.memref_slice %arg4[%dma_start3A_46, %dma_start3A_47] : memref<10240x128xf32, #tpu.memory_space<hbm>> -> memref<10240x128xf32, #tpu.memory_space<hbm>>
        tpu.enqueue_indirect_dma source(%dma_start3A_48 : memref<10240x128xf32, #tpu.memory_space<hbm>>) target(%arg10 : memref<100x128xf32, #tpu.memory_space<vmem>>) offsets(%dma_start3A_45 : memref<100xi32, #tpu.memory_space<vmem>>) semaphore(%arg13 : memref<!tpu.dma_semaphore, #tpu.memory_space<semaphore_mem>>)
        %dma_wait3A_49 = arith.constant 0 : i32
        %dma_wait3A_50 = tpu.memref_slice %arg7[%add3A_40, %dma_wait3A_49] : memref<25x100xi32, #tpu.memory_space<vmem>> -> memref<1x100xi32, #tpu.memory_space<vmem>>
        %dma_wait3A_51 = tpu.memref_squeeze %dma_wait3A_50 : memref<1x100xi32, #tpu.memory_space<vmem>> -> memref<100xi32, #tpu.memory_space<vmem>>
        %dma_wait3A_52 = arith.constant 0 : i32
        %dma_wait3A_53 = arith.constant 0 : i32
        %dma_wait3A_54 = tpu.memref_slice %arg4[%dma_wait3A_52, %dma_wait3A_53] : memref<10240x128xf32, #tpu.memory_space<hbm>> -> memref<10240x128xf32, #tpu.memory_space<hbm>>
        tpu.wait_indirect_dma semaphore(%arg12 : memref<!tpu.dma_semaphore, #tpu.memory_space<semaphore_mem>>) src(%dma_wait3A_54 : memref<10240x128xf32, #tpu.memory_space<hbm>>) dst(%arg9 : memref<100x128xf32, #tpu.memory_space<vmem>>)
        "tpu.region"() ({
          %run_scoped3A_73 = tpu.sem_alloc : memref<!tpu.dma_semaphore, #tpu.memory_space<semaphore_mem>>
          %dma_start3A_74 = arith.constant 0 : i32
          %dma_start3A_75 = tpu.memref_slice %arg8[%add3A_40, %dma_start3A_74] : memref<25x100xi32, #tpu.memory_space<vmem>> -> memref<1x100xi32, #tpu.memory_space<vmem>>
          %dma_start3A_76 = tpu.memref_squeeze %dma_start3A_75 : memref<1x100xi32, #tpu.memory_space<vmem>> -> memref<100xi32, #tpu.memory_space<vmem>>
          %dma_start3A_77 = arith.constant 0 : i32
          %dma_start3A_78 = arith.constant 0 : i32
          %dma_start3A_79 = tpu.memref_slice %arg11[%dma_start3A_77, %dma_start3A_78] : memref<10240x128xf32, #tpu.memory_space<vmem_shared>> -> memref<10240x128xf32, #tpu.memory_space<vmem_shared>>
          tpu.enqueue_indirect_dma source(%arg9 : memref<100x128xf32, #tpu.memory_space<vmem>>) target(%dma_start3A_79 : memref<10240x128xf32, #tpu.memory_space<vmem_shared>>) offsets(%dma_start3A_76 : memref<100xi32, #tpu.memory_space<vmem>>) semaphore(%run_scoped3A_73 : memref<!tpu.dma_semaphore, #tpu.memory_space<semaphore_mem>>) {add = true}
          %dma_wait3A_80 = arith.constant 0 : i32
          %dma_wait3A_81 = tpu.memref_slice %arg8[%add3A_40, %dma_wait3A_80] : memref<25x100xi32, #tpu.memory_space<vmem>> -> memref<1x100xi32, #tpu.memory_space<vmem>>
          %dma_wait3A_82 = tpu.memref_squeeze %dma_wait3A_81 : memref<1x100xi32, #tpu.memory_space<vmem>> -> memref<100xi32, #tpu.memory_space<vmem>>
          %dma_wait3A_83 = arith.constant 0 : i32
          %dma_wait3A_84 = arith.constant 0 : i32
          %dma_wait3A_85 = tpu.memref_slice %arg11[%dma_wait3A_83, %dma_wait3A_84] : memref<10240x128xf32, #tpu.memory_space<vmem_shared>> -> memref<10240x128xf32, #tpu.memory_space<vmem_shared>>
          tpu.wait_indirect_dma semaphore(%run_scoped3A_73 : memref<!tpu.dma_semaphore, #tpu.memory_space<semaphore_mem>>) src(%arg9 : memref<100x128xf32, #tpu.memory_space<vmem>>) dst(%dma_wait3A_85 : memref<10240x128xf32, #tpu.memory_space<vmem_shared>>)
          tpu.yield
        }) : () -> ()
        %add3A_55 = arith.constant 2 : i32
        %add3A_56 = arith.addi %add3A_40, %add3A_55 : i32
        %dma_start3A_57 = arith.constant 0 : i32
        %dma_start3A_58 = tpu.memref_slice %arg7[%add3A_56, %dma_start3A_57] : memref<25x100xi32, #tpu.memory_space<vmem>> -> memref<1x100xi32, #tpu.memory_space<vmem>>
        %dma_start3A_59 = tpu.memref_squeeze %dma_start3A_58 : memref<1x100xi32, #tpu.memory_space<vmem>> -> memref<100xi32, #tpu.memory_space<vmem>>
        %dma_start3A_60 = arith.constant 0 : i32
        %dma_start3A_61 = arith.constant 0 : i32
        %dma_start3A_62 = tpu.memref_slice %arg4[%dma_start3A_60, %dma_start3A_61] : memref<10240x128xf32, #tpu.memory_space<hbm>> -> memref<10240x128xf32, #tpu.memory_space<hbm>>
        tpu.enqueue_indirect_dma source(%dma_start3A_62 : memref<10240x128xf32, #tpu.memory_space<hbm>>) target(%arg9 : memref<100x128xf32, #tpu.memory_space<vmem>>) offsets(%dma_start3A_59 : memref<100xi32, #tpu.memory_space<vmem>>) semaphore(%arg12 : memref<!tpu.dma_semaphore, #tpu.memory_space<semaphore_mem>>)
        %add3A_63 = arith.constant 1 : i32
        %add3A_64 = arith.addi %add3A_40, %add3A_63 : i32
        %dma_wait3A_65 = arith.constant 0 : i32
        %dma_wait3A_66 = tpu.memref_slice %arg7[%add3A_64, %dma_wait3A_65] : memref<25x100xi32, #tpu.memory_space<vmem>> -> memref<1x100xi32, #tpu.memory_space<vmem>>
        %dma_wait3A_67 = tpu.memref_squeeze %dma_wait3A_66 : memref<1x100xi32, #tpu.memory_space<vmem>> -> memref<100xi32, #tpu.memory_space<vmem>>
        %dma_wait3A_68 = arith.constant 0 : i32
        %dma_wait3A_69 = arith.constant 0 : i32
        %dma_wait3A_70 = tpu.memref_slice %arg4[%dma_wait3A_68, %dma_wait3A_69] : memref<10240x128xf32, #tpu.memory_space<hbm>> -> memref<10240x128xf32, #tpu.memory_space<hbm>>
        tpu.wait_indirect_dma semaphore(%arg13 : memref<!tpu.dma_semaphore, #tpu.memory_space<semaphore_mem>>) src(%dma_wait3A_70 : memref<10240x128xf32, #tpu.memory_space<hbm>>) dst(%arg10 : memref<100x128xf32, #tpu.memory_space<vmem>>)
        %add3A_71 = arith.constant 1 : i32
        %add3A_72 = arith.addi %add3A_40, %add3A_71 : i32
        "tpu.region"() ({
          %run_scoped3A_73 = tpu.sem_alloc : memref<!tpu.dma_semaphore, #tpu.memory_space<semaphore_mem>>
          %dma_start3A_74 = arith.constant 0 : i32
          %dma_start3A_75 = tpu.memref_slice %arg8[%add3A_72, %dma_start3A_74] : memref<25x100xi32, #tpu.memory_space<vmem>> -> memref<1x100xi32, #tpu.memory_space<vmem>>
          %dma_start3A_76 = tpu.memref_squeeze %dma_start3A_75 : memref<1x100xi32, #tpu.memory_space<vmem>> -> memref<100xi32, #tpu.memory_space<vmem>>
          %dma_start3A_77 = arith.constant 0 : i32
          %dma_start3A_78 = arith.constant 0 : i32
          %dma_start3A_79 = tpu.memref_slice %arg11[%dma_start3A_77, %dma_start3A_78] : memref<10240x128xf32, #tpu.memory_space<vmem_shared>> -> memref<10240x128xf32, #tpu.memory_space<vmem_shared>>
          tpu.enqueue_indirect_dma source(%arg10 : memref<100x128xf32, #tpu.memory_space<vmem>>) target(%dma_start3A_79 : memref<10240x128xf32, #tpu.memory_space<vmem_shared>>) offsets(%dma_start3A_76 : memref<100xi32, #tpu.memory_space<vmem>>) semaphore(%run_scoped3A_73 : memref<!tpu.dma_semaphore, #tpu.memory_space<semaphore_mem>>) {add = true}
          %dma_wait3A_80 = arith.constant 0 : i32
          %dma_wait3A_81 = tpu.memref_slice %arg8[%add3A_72, %dma_wait3A_80] : memref<25x100xi32, #tpu.memory_space<vmem>> -> memref<1x100xi32, #tpu.memory_space<vmem>>
          %dma_wait3A_82 = tpu.memref_squeeze %dma_wait3A_81 : memref<1x100xi32, #tpu.memory_space<vmem>> -> memref<100xi32, #tpu.memory_space<vmem>>
          %dma_wait3A_83 = arith.constant 0 : i32
          %dma_wait3A_84 = arith.constant 0 : i32
          %dma_wait3A_85 = tpu.memref_slice %arg11[%dma_wait3A_83, %dma_wait3A_84] : memref<10240x128xf32, #tpu.memory_space<vmem_shared>> -> memref<10240x128xf32, #tpu.memory_space<vmem_shared>>
          tpu.wait_indirect_dma semaphore(%run_scoped3A_73 : memref<!tpu.dma_semaphore, #tpu.memory_space<semaphore_mem>>) src(%arg10 : memref<100x128xf32, #tpu.memory_space<vmem>>) dst(%dma_wait3A_85 : memref<10240x128xf32, #tpu.memory_space<vmem_shared>>)
          tpu.yield
        }) : () -> ()
      }
      %scan3A_29 = arith.constant 12 : i32
      %dma_wait3A = arith.constant 24 : i32
      %dma_wait3A_30 = arith.constant 0 : i32
      %dma_wait3A_31 = tpu.memref_slice %arg7[%dma_wait3A, %dma_wait3A_30] : memref<25x100xi32, #tpu.memory_space<vmem>> -> memref<1x100xi32, #tpu.memory_space<vmem>>
      %dma_wait3A_32 = tpu.memref_squeeze %dma_wait3A_31 : memref<1x100xi32, #tpu.memory_space<vmem>> -> memref<100xi32, #tpu.memory_space<vmem>>
      %dma_wait3A_33 = arith.constant 0 : i32
      %dma_wait3A_34 = arith.constant 0 : i32
      %dma_wait3A_35 = tpu.memref_slice %arg4[%dma_wait3A_33, %dma_wait3A_34] : memref<10240x128xf32, #tpu.memory_space<hbm>> -> memref<10240x128xf32, #tpu.memory_space<hbm>>
      tpu.wait_indirect_dma semaphore(%arg12 : memref<!tpu.dma_semaphore, #tpu.memory_space<semaphore_mem>>) src(%dma_wait3A_35 : memref<10240x128xf32, #tpu.memory_space<hbm>>) dst(%arg9 : memref<100x128xf32, #tpu.memory_space<vmem>>)
      %run_scoped3A = arith.constant 24 : i32
      "tpu.region"() ({
        %run_scoped3A_36 = tpu.sem_alloc : memref<!tpu.dma_semaphore, #tpu.memory_space<semaphore_mem>>
        %dma_start3A_37 = arith.constant 0 : i32
        %dma_start3A_38 = tpu.memref_slice %arg8[%run_scoped3A, %dma_start3A_37] : memref<25x100xi32, #tpu.memory_space<vmem>> -> memref<1x100xi32, #tpu.memory_space<vmem>>
        %dma_start3A_39 = tpu.memref_squeeze %dma_start3A_38 : memref<1x100xi32, #tpu.memory_space<vmem>> -> memref<100xi32, #tpu.memory_space<vmem>>
        %dma_start3A_40 = arith.constant 0 : i32
        %dma_start3A_41 = arith.constant 0 : i32
        %dma_start3A_42 = tpu.memref_slice %arg11[%dma_start3A_40, %dma_start3A_41] : memref<10240x128xf32, #tpu.memory_space<vmem_shared>> -> memref<10240x128xf32, #tpu.memory_space<vmem_shared>>
        tpu.enqueue_indirect_dma source(%arg9 : memref<100x128xf32, #tpu.memory_space<vmem>>) target(%dma_start3A_42 : memref<10240x128xf32, #tpu.memory_space<vmem_shared>>) offsets(%dma_start3A_39 : memref<100xi32, #tpu.memory_space<vmem>>) semaphore(%run_scoped3A_36 : memref<!tpu.dma_semaphore, #tpu.memory_space<semaphore_mem>>) {add = true}
        %dma_wait3A_43 = arith.constant 0 : i32
        %dma_wait3A_44 = tpu.memref_slice %arg8[%run_scoped3A, %dma_wait3A_43] : memref<25x100xi32, #tpu.memory_space<vmem>> -> memref<1x100xi32, #tpu.memory_space<vmem>>
        %dma_wait3A_45 = tpu.memref_squeeze %dma_wait3A_44 : memref<1x100xi32, #tpu.memory_space<vmem>> -> memref<100xi32, #tpu.memory_space<vmem>>
        %dma_wait3A_46 = arith.constant 0 : i32
        %dma_wait3A_47 = arith.constant 0 : i32
        %dma_wait3A_48 = tpu.memref_slice %arg11[%dma_wait3A_46, %dma_wait3A_47] : memref<10240x128xf32, #tpu.memory_space<vmem_shared>> -> memref<10240x128xf32, #tpu.memory_space<vmem_shared>>
        tpu.wait_indirect_dma semaphore(%run_scoped3A_36 : memref<!tpu.dma_semaphore, #tpu.memory_space<semaphore_mem>>) src(%arg9 : memref<100x128xf32, #tpu.memory_space<vmem>>) dst(%dma_wait3A_48 : memref<10240x128xf32, #tpu.memory_space<vmem_shared>>)
        tpu.yield
      }) : () -> ()
    }
    %scan3A_12 = arith.constant 4 : i32
    %barrier3A_13 = arith.constant 0 : index
    tpu.barrier barrier_id(%barrier3A_13)
    "tpu.region"() ({
      %run_scoped3A = tpu.sem_alloc : memref<!tpu.dma_semaphore, #tpu.memory_space<semaphore_mem>>
      %dma_start3A = arith.constant 0 : i32
      %dma_start3A_14 = tpu.memref_slice %arg6[%arg0, %mul3A_2, %dma_start3A] : memref<2x10240x128xf32, #tpu.memory_space<hbm>> -> memref<1x640x128xf32, #tpu.memory_space<hbm>>
      %dma_start3A_15 = tpu.memref_squeeze %dma_start3A_14 : memref<1x640x128xf32, #tpu.memory_space<hbm>> -> memref<640x128xf32, #tpu.memory_space<hbm>>
      %dma_start3A_16 = arith.constant 0 : i32
      %dma_start3A_17 = tpu.memref_slice %arg11[%mul3A_2, %dma_start3A_16] : memref<10240x128xf32, #tpu.memory_space<vmem_shared>> -> memref<640x128xf32, #tpu.memory_space<vmem_shared>>
      tpu.enqueue_dma source(%dma_start3A_17 : memref<640x128xf32, #tpu.memory_space<vmem_shared>>) target(%dma_start3A_15 : memref<640x128xf32, #tpu.memory_space<hbm>>) target_semaphore(%run_scoped3A : memref<!tpu.dma_semaphore, #tpu.memory_space<semaphore_mem>>)
      %dma_wait3A = arith.constant 0 : i32
      %dma_wait3A_18 = tpu.memref_slice %arg6[%arg0, %mul3A_2, %dma_wait3A] : memref<2x10240x128xf32, #tpu.memory_space<hbm>> -> memref<1x640x128xf32, #tpu.memory_space<hbm>>
      %dma_wait3A_19 = tpu.memref_squeeze %dma_wait3A_18 : memref<1x640x128xf32, #tpu.memory_space<hbm>> -> memref<640x128xf32, #tpu.memory_space<hbm>>
      %dma_wait3A_20 = arith.constant 0 : i32
      %dma_wait3A_21 = tpu.memref_slice %arg11[%mul3A_2, %dma_wait3A_20] : memref<10240x128xf32, #tpu.memory_space<vmem_shared>> -> memref<640x128xf32, #tpu.memory_space<vmem_shared>>
      tpu.wait_dma2 semaphore(%run_scoped3A : memref<!tpu.dma_semaphore, #tpu.memory_space<semaphore_mem>>) src(%dma_wait3A_21 : memref<640x128xf32, #tpu.memory_space<vmem_shared>>) dst(%dma_wait3A_19 : memref<640x128xf32, #tpu.memory_space<hbm>>)
      tpu.yield
    }) : () -> ()
    return
  }
}

module attributes {stable_mosaic.version = 14 : i64} {
  func.func @_mm1_body(%arg0: i32, %arg1: memref<2x1024x128xf32, #tpu.memory_space<vmem>>, %arg2: memref<1024x128xf32, #tpu.memory_space<vmem>>, %arg3: memref<128x128xf32, #tpu.memory_space<vmem>>, %arg4: memref<1024x128xf32, #tpu.memory_space<vmem>>) attributes {dimension_semantics = [#tpu.dimension_semantics<arbitrary>], iteration_bounds = array<i64: 10>, scalar_prefetch = 0 : i64, scratch_operands = 0 : i64, tpu.core_type = #tpu.core_type<tc>, window_params = [{transform_indices = @transform_0, window_bounds = array<i64: 2, 1024, 128>}, {transform_indices = @transform_1, window_bounds = array<i64: 1024, 128>}, {pipeline_mode = #tpu.pipeline_mode<synchronous>, transform_indices = @transform_2, window_bounds = array<i64: 128, 128>}, {transform_indices = @transform_3, window_bounds = array<i64: 1024, 128>}]} {
    %get3A = arith.constant 0 : index
    %get3A_0 = arith.constant 0 : index
    %get3A_1 = arith.constant 0 : index
    %get3A_2 = vector.load %arg1[%get3A, %get3A_0, %get3A_1] : memref<2x1024x128xf32, #tpu.memory_space<vmem>>, vector<1x1024x1xf32>
    %get3A_3 = vector.shape_cast %get3A_2 : vector<1x1024x1xf32> to vector<1024xf32>
    %add3A = arith.constant 1.000000e+00 : f32
    %add3A_4 = vector.broadcast %add3A : f32 to vector<1024xf32>
    %add3A_5 = arith.addf %add3A_4, %get3A_3 : vector<1024xf32>
    %get3A_6 = arith.constant 1 : index
    %get3A_7 = arith.constant 0 : index
    %get3A_8 = arith.constant 0 : index
    %get3A_9 = vector.load %arg1[%get3A_6, %get3A_7, %get3A_8] : memref<2x1024x128xf32, #tpu.memory_space<vmem>>, vector<1x1024x1xf32>
    %get3A_10 = vector.shape_cast %get3A_9 : vector<1x1024x1xf32> to vector<1024xf32>
    %add3A_11 = arith.addf %add3A_5, %get3A_10 : vector<1024xf32>
    %rsqrt3A = math.rsqrt %add3A_11 : vector<1024xf32>
    %get3A_12 = arith.constant 0 : index
    %get3A_13 = arith.constant 0 : index
    %get3A_14 = vector.load %arg2[%get3A_12, %get3A_13] : memref<1024x128xf32, #tpu.memory_space<vmem>>, vector<1024x128xf32>
    %get3A_15 = arith.constant 0 : index
    %get3A_16 = arith.constant 0 : index
    %get3A_17 = vector.load %arg3[%get3A_15, %get3A_16] : memref<128x128xf32, #tpu.memory_space<vmem>>, vector<128x128xf32>
    %dot_general3A = arith.constant dense<0.000000e+00> : vector<1024x128xf32>
    %dot_general3A_18 = tpu.matmul %get3A_14, %get3A_17, %dot_general3A {dimension_numbers = #tpu.dot_dimension_numbers<[1], [0], [0], [1], [0, 0, 1, 1], [], []>, precision = #tpu.contract_precision<fp32>, transpose_lhs_hint = false} : vector<1024x128xf32>, vector<128x128xf32>, vector<1024x128xf32> -> vector<1024x128xf32>
    %broadcast_in_dim3A = vector.shape_cast %rsqrt3A : vector<1024xf32> to vector<1024x1xf32>
    %mul3A = vector.broadcast %broadcast_in_dim3A : vector<1024x1xf32> to vector<1024x128xf32>
    %mul3A_19 = arith.mulf %dot_general3A_18, %mul3A : vector<1024x128xf32>
    %swap3A = arith.constant 0 : index
    %swap3A_20 = arith.constant 0 : index
    %swap3A_21 = vector.load %arg4[%swap3A, %swap3A_20] : memref<1024x128xf32, #tpu.memory_space<vmem>>, vector<1024x128xf32>
    tpu.vector_store %arg4[%swap3A, %swap3A_20], %mul3A_19 {strides = array<i32>} : memref<1024x128xf32, #tpu.memory_space<vmem>>, vector<1024x128xf32>,
    return
  }
  func.func @transform_0(%arg0: i32) -> (i32, i32, i32) {
    %c0_i32 = arith.constant 0 : i32
    %c0_i32_0 = arith.constant 0 : i32
    %c0_i32_1 = arith.constant 0 : i32
    return %c0_i32, %arg0, %c0_i32_0 : i32, i32, i32
  }
  func.func @transform_1(%arg0: i32) -> (i32, i32) {
    %c0_i32 = arith.constant 0 : i32
    %c0_i32_0 = arith.constant 0 : i32
    return %arg0, %c0_i32 : i32, i32
  }
  func.func @transform_2(%arg0: i32) -> (i32, i32) {
    %c0_i32 = arith.constant 0 : i32
    %c0_i32_0 = arith.constant 0 : i32
    %c0_i32_1 = arith.constant 0 : i32
    return %c0_i32, %c0_i32_0 : i32, i32
  }
  func.func @transform_3(%arg0: i32) -> (i32, i32) {
    %c0_i32 = arith.constant 0 : i32
    %c0_i32_0 = arith.constant 0 : i32
    return %arg0, %c0_i32 : i32, i32
  }
}

module attributes {stable_mosaic.version = 14 : i64} {
  func.func @_mm2_body(%arg0: i32, %arg1: memref<2x1024x128xf32, #tpu.memory_space<vmem>>, %arg2: memref<2x1024x128xf32, #tpu.memory_space<vmem>>, %arg3: memref<1x128xf32, #tpu.memory_space<vmem>>, %arg4: memref<128x128xf32, #tpu.memory_space<vmem>>, %arg5: memref<1024x128xf32, #tpu.memory_space<vmem>>) attributes {dimension_semantics = [#tpu.dimension_semantics<arbitrary>], iteration_bounds = array<i64: 10>, scalar_prefetch = 0 : i64, scratch_operands = 0 : i64, tpu.core_type = #tpu.core_type<tc>, window_params = [{transform_indices = @transform_0, window_bounds = array<i64: 2, 1024, 128>}, {transform_indices = @transform_1, window_bounds = array<i64: 2, 1024, 128>}, {pipeline_mode = #tpu.pipeline_mode<synchronous>, transform_indices = @transform_2, window_bounds = array<i64: 1, 128>}, {pipeline_mode = #tpu.pipeline_mode<synchronous>, transform_indices = @transform_3, window_bounds = array<i64: 128, 128>}, {transform_indices = @transform_4, window_bounds = array<i64: 1024, 128>}]} {
    %get3A = arith.constant 0 : index
    %get3A_0 = arith.constant 0 : index
    %get3A_1 = arith.constant 0 : index
    %get3A_2 = vector.load %arg1[%get3A, %get3A_0, %get3A_1] : memref<2x1024x128xf32, #tpu.memory_space<vmem>>, vector<1x1024x1xf32>
    %get3A_3 = vector.shape_cast %get3A_2 : vector<1x1024x1xf32> to vector<1024xf32>
    %add3A = arith.constant 1.000000e+00 : f32
    %add3A_4 = vector.broadcast %add3A : f32 to vector<1024xf32>
    %add3A_5 = arith.addf %add3A_4, %get3A_3 : vector<1024xf32>
    %get3A_6 = arith.constant 1 : index
    %get3A_7 = arith.constant 0 : index
    %get3A_8 = arith.constant 0 : index
    %get3A_9 = vector.load %arg1[%get3A_6, %get3A_7, %get3A_8] : memref<2x1024x128xf32, #tpu.memory_space<vmem>>, vector<1x1024x1xf32>
    %get3A_10 = vector.shape_cast %get3A_9 : vector<1x1024x1xf32> to vector<1024xf32>
    %add3A_11 = arith.addf %add3A_5, %get3A_10 : vector<1024xf32>
    %rsqrt3A = math.rsqrt %add3A_11 : vector<1024xf32>
    %get3A_12 = arith.constant 0 : index
    %get3A_13 = arith.constant 0 : index
    %get3A_14 = arith.constant 0 : index
    %get3A_15 = vector.load %arg2[%get3A_12, %get3A_13, %get3A_14] : memref<2x1024x128xf32, #tpu.memory_space<vmem>>, vector<1x1024x128xf32>
    %get3A_16 = vector.shape_cast %get3A_15 : vector<1x1024x128xf32> to vector<1024x128xf32>
    %get3A_17 = arith.constant 1 : index
    %get3A_18 = arith.constant 0 : index
    %get3A_19 = arith.constant 0 : index
    %get3A_20 = vector.load %arg2[%get3A_17, %get3A_18, %get3A_19] : memref<2x1024x128xf32, #tpu.memory_space<vmem>>, vector<1x1024x128xf32>
    %get3A_21 = vector.shape_cast %get3A_20 : vector<1x1024x128xf32> to vector<1024x128xf32>
    %add3A_22 = arith.addf %get3A_16, %get3A_21 : vector<1024x128xf32>
    %broadcast_in_dim3A = vector.shape_cast %rsqrt3A : vector<1024xf32> to vector<1024x1xf32>
    %mul3A = vector.broadcast %broadcast_in_dim3A : vector<1024x1xf32> to vector<1024x128xf32>
    %mul3A_23 = arith.mulf %add3A_22, %mul3A : vector<1024x128xf32>
    %get3A_24 = arith.constant 0 : index
    %get3A_25 = arith.constant 0 : index
    %get3A_26 = vector.load %arg3[%get3A_24, %get3A_25] : memref<1x128xf32, #tpu.memory_space<vmem>>, vector<1x128xf32>
    %add3A_27 = vector.broadcast %get3A_26 : vector<1x128xf32> to vector<1024x128xf32>
    %add3A_28 = arith.addf %mul3A_23, %add3A_27 : vector<1024x128xf32>
    %max3A = arith.constant 0.000000e+00 : f32
    %max3A_29 = vector.broadcast %max3A : f32 to vector<1024x128xf32>
    %max3A_30 = arith.maximumf %add3A_28, %max3A_29 : vector<1024x128xf32>
    %get3A_31 = arith.constant 0 : index
    %get3A_32 = arith.constant 0 : index
    %get3A_33 = vector.load %arg4[%get3A_31, %get3A_32] : memref<128x128xf32, #tpu.memory_space<vmem>>, vector<128x128xf32>
    %dot_general3A = arith.constant dense<0.000000e+00> : vector<1024x128xf32>
    %dot_general3A_34 = tpu.matmul %max3A_30, %get3A_33, %dot_general3A {dimension_numbers = #tpu.dot_dimension_numbers<[1], [0], [0], [1], [0, 0, 1, 1], [], []>, precision = #tpu.contract_precision<fp32>, transpose_lhs_hint = false} : vector<1024x128xf32>, vector<128x128xf32>, vector<1024x128xf32> -> vector<1024x128xf32>
    %broadcast_in_dim3A_35 = vector.shape_cast %rsqrt3A : vector<1024xf32> to vector<1024x1xf32>
    %mul3A_36 = vector.broadcast %broadcast_in_dim3A_35 : vector<1024x1xf32> to vector<1024x128xf32>
    %mul3A_37 = arith.mulf %dot_general3A_34, %mul3A_36 : vector<1024x128xf32>
    %swap3A = arith.constant 0 : index
    %swap3A_38 = arith.constant 0 : index
    %swap3A_39 = vector.load %arg5[%swap3A, %swap3A_38] : memref<1024x128xf32, #tpu.memory_space<vmem>>, vector<1024x128xf32>
    tpu.vector_store %arg5[%swap3A, %swap3A_38], %mul3A_37 {strides = array<i32>} : memref<1024x128xf32, #tpu.memory_space<vmem>>, vector<1024x128xf32>,
    return
  }
  func.func @transform_0(%arg0: i32) -> (i32, i32, i32) {
    %c0_i32 = arith.constant 0 : i32
    %c0_i32_0 = arith.constant 0 : i32
    %c0_i32_1 = arith.constant 0 : i32
    return %c0_i32, %arg0, %c0_i32_0 : i32, i32, i32
  }
  func.func @transform_1(%arg0: i32) -> (i32, i32, i32) {
    %c0_i32 = arith.constant 0 : i32
    %c0_i32_0 = arith.constant 0 : i32
    %c0_i32_1 = arith.constant 0 : i32
    return %c0_i32, %arg0, %c0_i32_0 : i32, i32, i32
  }
  func.func @transform_2(%arg0: i32) -> (i32, i32) {
    %c0_i32 = arith.constant 0 : i32
    %c0_i32_0 = arith.constant 0 : i32
    %c0_i32_1 = arith.constant 0 : i32
    return %c0_i32, %c0_i32_0 : i32, i32
  }
  func.func @transform_3(%arg0: i32) -> (i32, i32) {
    %c0_i32 = arith.constant 0 : i32
    %c0_i32_0 = arith.constant 0 : i32
    %c0_i32_1 = arith.constant 0 : i32
    return %c0_i32, %c0_i32_0 : i32, i32
  }
  func.func @transform_4(%arg0: i32) -> (i32, i32) {
    %c0_i32 = arith.constant 0 : i32
    %c0_i32_0 = arith.constant 0 : i32
    return %arg0, %c0_i32 : i32, i32
  }
}

module attributes {stable_mosaic.version = 14 : i64} {
  func.func @_fin_body(%arg0: i32, %arg1: memref<2x1024x128xf32, #tpu.memory_space<vmem>>, %arg2: memref<2x1024x128xf32, #tpu.memory_space<vmem>>, %arg3: memref<1x64xf32, #tpu.memory_space<vmem>>, %arg4: memref<1024x64xf32, #tpu.memory_space<vmem>>) attributes {dimension_semantics = [#tpu.dimension_semantics<arbitrary>], iteration_bounds = array<i64: 10>, scalar_prefetch = 0 : i64, scratch_operands = 0 : i64, tpu.core_type = #tpu.core_type<tc>, window_params = [{transform_indices = @transform_0, window_bounds = array<i64: 2, 1024, 128>}, {transform_indices = @transform_1, window_bounds = array<i64: 2, 1024, 128>}, {pipeline_mode = #tpu.pipeline_mode<synchronous>, transform_indices = @transform_2, window_bounds = array<i64: 1, 64>}, {transform_indices = @transform_3, window_bounds = array<i64: 1024, 64>}]} {
    %get3A = arith.constant 0 : index
    %get3A_0 = arith.constant 0 : index
    %get3A_1 = arith.constant 0 : index
    %get3A_2 = vector.load %arg1[%get3A, %get3A_0, %get3A_1] : memref<2x1024x128xf32, #tpu.memory_space<vmem>>, vector<1x1024x1xf32>
    %get3A_3 = vector.shape_cast %get3A_2 : vector<1x1024x1xf32> to vector<1024xf32>
    %add3A = arith.constant 1.000000e+00 : f32
    %add3A_4 = vector.broadcast %add3A : f32 to vector<1024xf32>
    %add3A_5 = arith.addf %add3A_4, %get3A_3 : vector<1024xf32>
    %get3A_6 = arith.constant 1 : index
    %get3A_7 = arith.constant 0 : index
    %get3A_8 = arith.constant 0 : index
    %get3A_9 = vector.load %arg1[%get3A_6, %get3A_7, %get3A_8] : memref<2x1024x128xf32, #tpu.memory_space<vmem>>, vector<1x1024x1xf32>
    %get3A_10 = vector.shape_cast %get3A_9 : vector<1x1024x1xf32> to vector<1024xf32>
    %add3A_11 = arith.addf %add3A_5, %get3A_10 : vector<1024xf32>
    %rsqrt3A = math.rsqrt %add3A_11 : vector<1024xf32>
    %get3A_12 = arith.constant 0 : index
    %get3A_13 = arith.constant 0 : index
    %get3A_14 = arith.constant 0 : index
    %get3A_15 = vector.load %arg2[%get3A_12, %get3A_13, %get3A_14] : memref<2x1024x128xf32, #tpu.memory_space<vmem>>, vector<1x1024x64xf32>
    %get3A_16 = vector.shape_cast %get3A_15 : vector<1x1024x64xf32> to vector<1024x64xf32>
    %get3A_17 = arith.constant 1 : index
    %get3A_18 = arith.constant 0 : index
    %get3A_19 = arith.constant 0 : index
    %get3A_20 = vector.load %arg2[%get3A_17, %get3A_18, %get3A_19] : memref<2x1024x128xf32, #tpu.memory_space<vmem>>, vector<1x1024x64xf32>
    %get3A_21 = vector.shape_cast %get3A_20 : vector<1x1024x64xf32> to vector<1024x64xf32>
    %add3A_22 = arith.addf %get3A_16, %get3A_21 : vector<1024x64xf32>
    %broadcast_in_dim3A = vector.shape_cast %rsqrt3A : vector<1024xf32> to vector<1024x1xf32>
    %mul3A = vector.broadcast %broadcast_in_dim3A : vector<1024x1xf32> to vector<1024x64xf32>
    %mul3A_23 = arith.mulf %add3A_22, %mul3A : vector<1024x64xf32>
    %get3A_24 = arith.constant 0 : index
    %get3A_25 = arith.constant 0 : index
    %get3A_26 = vector.load %arg3[%get3A_24, %get3A_25] : memref<1x64xf32, #tpu.memory_space<vmem>>, vector<1x64xf32>
    %add3A_27 = vector.broadcast %get3A_26 : vector<1x64xf32> to vector<1024x64xf32>
    %add3A_28 = arith.addf %mul3A_23, %add3A_27 : vector<1024x64xf32>
    %swap3A = arith.constant 0 : index
    %swap3A_29 = arith.constant 0 : index
    %swap3A_30 = vector.load %arg4[%swap3A, %swap3A_29] : memref<1024x64xf32, #tpu.memory_space<vmem>>, vector<1024x64xf32>
    tpu.vector_store %arg4[%swap3A, %swap3A_29], %add3A_28 {strides = array<i32>} : memref<1024x64xf32, #tpu.memory_space<vmem>>, vector<1024x64xf32>,
    return
  }
  func.func @transform_0(%arg0: i32) -> (i32, i32, i32) {
    %c0_i32 = arith.constant 0 : i32
    %c0_i32_0 = arith.constant 0 : i32
    %c0_i32_1 = arith.constant 0 : i32
    return %c0_i32, %arg0, %c0_i32_0 : i32, i32, i32
  }
  func.func @transform_1(%arg0: i32) -> (i32, i32, i32) {
    %c0_i32 = arith.constant 0 : i32
    %c0_i32_0 = arith.constant 0 : i32
    %c0_i32_1 = arith.constant 0 : i32
    return %c0_i32, %arg0, %c0_i32_0 : i32, i32, i32
  }
  func.func @transform_2(%arg0: i32) -> (i32, i32) {
    %c0_i32 = arith.constant 0 : i32
    %c0_i32_0 = arith.constant 0 : i32
    %c0_i32_1 = arith.constant 0 : i32
    return %c0_i32, %c0_i32_0 : i32, i32
  }
  func.func @transform_3(%arg0: i32) -> (i32, i32) {
    %c0_i32 = arith.constant 0 : i32
    %c0_i32_0 = arith.constant 0 : i32
    return %arg0, %c0_i32 : i32, i32
  }
}

</mosaic_0001>

<sc_bundles>
// kernel: kernel.11.cloned.1.call-start
scs
__scs_entry_jumppad:
0x0: {  	(pc) =	sbr.rel $0x88, $3  }
0x1: {  	(tag) =	ssettag $0x0;
	lr =	simm.s32 $0x1  }
0x2: {  	[smem:$0x3F9B] =	sst lr;
	_ =	strace $0xD0000000  }
0x3: {  	_ = 	snop  }
0x4: {  	_ = 	snop  }
0x5: {  	_ = 	snop  }
0x6: {  	_ = 	snop  }
0x7: {  	_ = 	snop  }
__scs_overlays_trampoline_lowered:
0x8: {  	[smem:$0x3FAA] =	sst s0  }
0x9: {  	[smem:$0x3FAB] =	sst s1  }
0xa: {  	[smem:$0x3FAC] =	sst s2  }
0xb: {  	[smem:$0x3FAD] =	sst s3  }
0xc: {  	[smem:$0x3FAE] =	sst s4  }
0xd: {  	[smem:$0x3FAF] =	sst s5  }
0xe: {  	[smem:$0x3FB0] =	sst s6  }
0xf: {  	[smem:$0x3FB1] =	sst s7  }
0x10: {  	[smem:$0x3FB2] =	sst s8  }
0x11: {  	[smem:$0x3FB3] =	sst s9;
	s0 =	simm.s32 @!p0 $0x0  }
0x12: {  	s1 =	sld [smem:$0x3F99];
	s0 =	simm.s32 @p0 $0x1  }
0x13: {  	[smem:$0x3FB4] =	sst s0;
	s0 =	simm.s32 @!p1 $0x0  }
0x14: {  	s2 =	sld [smem:$0x3F98];
	s0 =	simm.s32 @p1 $0x1  }
0x15: {  	[smem:$0x3FB5] =	sst s0;
	s0 =	simm.s32 @!p2 $0x0  }
0x16: {  	s3 =	sld [smem:$0x3FDB];
	s0 =	simm.s32 @p2 $0x1  }
0x17: {  	s4 =	simm.s32 $0x1BF5;
	[smem:$0x3FB7] =	sst s0  }
0x18: {  	s0 =	sld [smem:$0x3F9A];
	_ =	swait.ge [sflag:s4], $0x0  }
0x19: {  	s7 =	sld [smem:$0x3F9B]  }
0x1a: {  	s8 =	sadd.s32 $0xFFFFE003, lr  }
0x1b: {  	s9 =	sadd.s32 $0xFFFFFEF7, lr;
	s5 =	simm.s32 $0xFFFFFFFF;
	p2 =	slt.u32 s8, $0xFFFFF086  }
0x1c: {  	p1 =	slt.u32 s9, $0xF7A;
	s5 =	simm.s32 @!p2 $0x0  }
0x1d: {  	s5 =	simm.s32 @p1 $0x1;
	p0 =	seq.s32 s7, s2  }
0x1e: {  	s7 =	smul.u32 @!p0 $0xF7A, s2;
	p2 =	seq.s32 @!p0 s5, $0x0  }
0x1f: {  	s9 =	smul.u32 $0xF7A, s1;
	s8 =	simm.s32 @!p0 $0x1BF5;
	p2 =	por !p2, p0  }
0x20: {  	[sflag:s8] =	ssyncset.s32 @!p0 $0xFFFFF086;
	s6 =	sadd.s32 @!p0 s3, s7;
	s7 =	simm.s32 @!p0 $0x108  }
0x21: {  	s3 =	sadd.s32 s3, s9;
	s6 =	sadd.s32 @!p0 $0x88, s6;
	s7 =	simm.s32 @p2 $0x1082  }
0x22: {  	[simem:s7], [sflag:s8] =	dma.local @!p0 [hbm:s6], $0xF7A  }
0x23: {  	s9 =	sor.u32 $0xD0000000, s2;
	s6 =	simm.s32 $0x108;
	_ =	swait.ge @!p0 [sflag:s8], $0x0  }
0x24: {  	s3 =	sadd.s32 $0x88, s3;
	s6 =	simm.s32 @!p1 $0x1082;
	[sflag:s4] =	ssyncset.s32 $0xFFFFF086  }
0x25: {  	[simem:s6], [sflag:s4] =	dma.local [hbm:s3], $0xF7A  }
0x26: {  	[smem:$0x3F9B] =	sst s1;
	(tag) =	ssettag s2;
	_ =	strace s9  }
0x27: {  	s1 =	sld [smem:$0x3FAB]  }
0x28: {  	s2 =	sld [smem:$0x3FAC]  }
0x29: {  	s4 =	sld [smem:$0x3FAE]  }
0x2a: {  	p0 =	seq.s32 s5, $0x0;
	s5 =	sld [smem:$0x3FAF]  }
0x2b: {  	s6 =	sld [smem:$0x3FB0]  }
0x2c: {  	s7 =	sld [smem:$0x3FB1]  }
0x2d: {  	s3 =	simm.s32 $0x108;
	s8 =	sld [smem:$0x3FB2]  }
0x2e: {  	s3 =	simm.s32 @!p0 $0x1082;
	s9 =	sld [smem:$0x3FB3]  }
0x2f: {  	lr =	sadd.s32 s0, s3;
	s0 =	sld [smem:$0x3FAA]  }
0x30: {  	s3 =	sld [smem:$0x3FAD]  }
0x31: {  	[smem:$0x3FB6] =	sst s10  }
0x32: {  	s10 =	sld [smem:$0x3FB4];
	_ =	sdelay $0x3  }
0x33: {  	p0 =	seq.s32 s10, $0x1;
	s10 =	sld [smem:$0x3FB6];
	_ =	sdelay $0x3  }
0x34: {  	[smem:$0x3FB6] =	sst s10  }
0x35: {  	s10 =	sld [smem:$0x3FB5];
	_ =	sdelay $0x3  }
0x36: {  	p1 =	seq.s32 s10, $0x1;
	s10 =	sld [smem:$0x3FB6];
	_ =	sdelay $0x3  }
0x37: {  	[smem:$0x3FB6] =	sst s10  }
0x38: {  	s10 =	sld [smem:$0x3FB7]  }
0x39: {  	_ = 	snop;
	(pc) =	sbr.ind lr, $3  }
0x3a: {  	_ = 	snop  }
0x3b: {  	_ = 	snop  }
0x3c: {  	p2 =	seq.s32 s10, $0x1;
	s10 =	sld [smem:$0x3FB6]  }
0x3d: {  	_ =	shalt  }
0x3e: {  	_ =	shalt  }
0x3f: {  	_ =	shalt  }
0x40: {  	_ =	shalt  }
0x41: {  	_ =	shalt  }
0x42: {  	_ =	shalt  }
0x43: {  	_ =	shalt  }
0x44: {  	_ =	shalt  }
0x45: {  	_ =	shalt  }
0x46: {  	_ =	shalt  }
0x47: {  	_ =	shalt  }
0x48: {  	_ =	shalt  }
0x49: {  	_ =	shalt  }
0x4a: {  	_ =	shalt  }
0x4b: {  	_ =	shalt  }
0x4c: {  	_ =	shalt  }
0x4d: {  	_ =	shalt  }
0x4e: {  	_ =	shalt  }
0x4f: {  	_ =	shalt  }
0x50: {  	_ =	shalt  }
0x51: {  	_ =	shalt  }
0x52: {  	_ =	shalt  }
0x53: {  	_ =	shalt  }
0x54: {  	_ =	shalt  }
0x55: {  	_ =	shalt  }
0x56: {  	_ =	shalt  }
0x57: {  	_ =	shalt  }
0x58: {  	_ =	shalt  }
0x59: {  	_ =	shalt  }
0x5a: {  	_ =	shalt  }
0x5b: {  	_ =	shalt  }
0x5c: {  	_ =	shalt  }
0x5d: {  	_ =	shalt  }
0x5e: {  	_ =	shalt  }
0x5f: {  	_ =	shalt  }
0x60: {  	_ =	shalt  }
0x61: {  	_ =	shalt  }
0x62: {  	_ =	shalt  }
0x63: {  	_ =	shalt  }
0x64: {  	_ =	shalt  }
0x65: {  	_ =	shalt  }
0x66: {  	_ =	shalt  }
0x67: {  	_ =	shalt  }
0x68: {  	_ =	shalt  }
0x69: {  	_ =	shalt  }
0x6a: {  	_ =	shalt  }
0x6b: {  	_ =	shalt  }
0x6c: {  	_ =	shalt  }
0x6d: {  	_ =	shalt  }
0x6e: {  	_ =	shalt  }
0x6f: {  	_ =	shalt  }
0x70: {  	_ =	shalt  }
0x71: {  	_ =	shalt  }
0x72: {  	_ =	shalt  }
0x73: {  	_ =	shalt  }
0x74: {  	_ =	shalt  }
0x75: {  	_ =	shalt  }
0x76: {  	_ =	shalt  }
0x77: {  	_ =	shalt  }
0x78: {  	_ =	shalt  }
0x79: {  	_ =	shalt  }
0x7a: {  	_ =	shalt  }
0x7b: {  	_ =	shalt  }
0x7c: {  	_ =	shalt  }
0x7d: {  	_ =	shalt  }
0x7e: {  	_ =	shalt  }
0x7f: {  	_ =	shalt  }
0x80: {  	_ =	shalt  }
0x81: {  	_ =	shalt  }
0x82: {  	_ =	shalt  }
0x83: {  	_ =	shalt  }
0x84: {  	_ =	shalt  }
0x85: {  	_ =	shalt  }
0x86: {  	_ =	shalt  }
0x87: {  	_ =	shalt  }
.Lfunc_end0:
.L_simem_size_0:
called_computation.1_lowered:
.L_overlay_start_0:
0x88: {  	s2 =	sld [smem:$0x3FD9]  }
0x89: {  	s3 =	sld [smem:$0x3FFE];
	_ =	sdelay $0x1  }
0x8a: {  	s1 =	srdreg.scid  }
0x8b: {  	s0 =	sand.u32 $0x1, s1  }
0x8c: {  	s17 =	sshll.u32 s0, $0xA;
	s2 =	sadd.s32 s3, s2  }
0x8d: {  	s2 =	sadd.s32 s2, s17  }
0x8e: {  	[smem:$0x3FC2] =	sst s2  }
0x8f: {  	_ = 	snop  }
0x90: {  	s2 =	sld [smem:$0x3FD0];
	(tm) =	ssettm $0x1  }
0x91: {  	s18 =	sld [smem:$0x3FFB];
	_ =	sdelay $0x3  }
0x92: {  	_ =	strace s18  }
0x93: {  	s3 =	sld [smem:$0x3FFC];
	_ =	sdelay $0x3  }
0x94: {  	_ =	strace s3  }
0x95: {  	s3 =	sld [smem:$0x3FFD];
	_ =	sdelay $0x3  }
0x96: {  	_ =	strace s3  }
0x97: {  	_ =	strace $0x8FFFFFFF  }
0x98: {  	s19 =	sld [smem:$0x3FDB];
	_ =	sdelay $0x1  }
0x99: {  	s4 =	simm.s32 $_scs_section_size  }
0x9a: {  	s5 =	simm.s32 $_size__tile_overlayer_lowered;
	s6 =	simm.s32 $_tile_overlayer_lowered  }
0x9b: {  	s22 =	simm.s32 $0x1BFF;
	s21 =	sshll.u32 s6, $0x1;
	s3 =	sadd.s32 s4, s19  }
0x9c: {  	s7 =	simm.s32 $0x0;
	s20 =	sshll.u32 s5, $0x1;
	s5 =	sadd.s32 s21, s3  }
0x9d: {  	[timem:s7], [sflag:s22] =	dma.local [hbm:s5], s20  }
0x9e: {  	_ =	swait.ge [sflag:s22], s20  }
0x9f: {  	s4 =	ssub.s32 $0x0, s20;
	[sflag:s22] =	ssyncset.done $0x0  }
0xa0: {  	[sflag:s22] =	ssyncadd.s32 s4;
	_ =	sdelay $0x1  }
0xa1: {  	s23 =	simm.s32 $0x1B8B  }
0xa2: {  	_ =	swait.ge [sflag:s23], $0x1  }
0xa3: {  	[sflag:s23] =	ssyncset.done $0x0  }
0xa4: {  	s25 =	simm.s32 $0x1B8E;
	s24 =	sld [smem:$0x3FFE];
	[sflag:s23] =	ssyncadd.s32 $0xFFFFFFFF  }
0xa5: {  	s26 =	simm.s32 $execute0_lowered;
	[smem:$0x3FD2] =	sst s25  }
0xa6: {  	s5 =	sshll.u32 s26, $0x1;
	_ =	strace $0x80000049;
	[dreg:$0x1] =	wrdreg $0xFFFFFFFF  }
0xa7: {  	s28 =	simm.s32 $_size_execute0_lowered;
	s3 =	sadd.s32 s3, s5;
	[dreg:$0x0] =	wrdreg $0x0  }
0xa8: {  	s5 =	sshll.u32 s28, $0x1;
	[dreg:$0x2] =	wrdreg s3  }
0xa9: {  	[dreg:$0x3] =	wrdreg s5  }
0xaa: {  	[dreg:$0x4] =	wrdreg $0xC0  }
0xab: {  	_ =	task [dreg:s7], $0x5FFFF  }
0xac: {  	[dreg:$0x1] =	wrdreg $0xFFFFFFFF  }
0xad: {  	[dreg:$0x0] =	wrdreg $0x60  }
0xae: {  	[dreg:$0x2] =	wrdreg s2  }
0xaf: {  	[dreg:$0x3] =	wrdreg s24  }
0xb0: {  	[dreg:$0x4] =	wrdreg $0x88000  }
0xb1: {  	[dreg:$0x5] =	wrdreg $0x9  }
0xb2: {  	_ =	task.clear_ibuf [dreg:s7], $0x6FFFF;
	_ =	strace $0x90000049  }
0xb3: {  	s29 =	simm.s32 $0x9;
	_ =	strace $0x8000004B  }
0xb4: {  	_ =	swait.ge [sflag:s29], $0x1  }
0xb5: {  	[sflag:s29] =	ssyncadd.s32 $0xFFFFFFFF  }
0xb6: {  	_ =	strace $0x9000004B  }
0xb7: {  	_ =	sfence  }
0xb8: {  	s30 =	sld [smem:$0x0];
	_ =	sdelay $0x2  }
0xb9: {  	s31 =	sshll.u32 s1, $0xD;
	s1 =	sshrl.u32 s1, $0x2  }
0xba: {  	s3 =	sand.u32 $0x4000, s31;
	s1 =	sadd.s32 s1, s30  }
0xbb: {  	s0 =	sor.u32 s3, s0;
	s1 =	sshll.u32 s1, $0x11  }
0xbc: {  	s0 =	sor.u32 s1, s0  }
0xbd: {  	s0 =	sadd.s32 $0x8F2B, s0  }
0xbe: {  	[sflag:s0] =	ssyncadd.remote.s32 $0x1  }
0xbf: {  	_ =	sfence.sel $0xFFFF  }
0xc0: {  	[dreg:$0x0] =	wrdreg $0xFFFFFFFF;
	(pc) =	sbr.abs _section_cstart, $3  }
0xc1: {  	[dreg:$0x1] =	wrdreg $0xFFFFFFFF  }
0xc2: {  	_ =	task.clear_ibuf [dreg:s7], $0x2FFFF;
	_ =	strace $0x9FFFFFFF  }
0xc3: {  	(tm) =	ssettm $0x7FFFFFFF  }
tec
execute0_lowered:
.L_overlay_start_1:
0x0: {  	(tag) =	ssettag $0x1  }
0x1: {  	s1 =	rddreg [dreg:$0x0]  }
0x2: {  	s7 =	rddreg [dreg:$0x1]  }
0x3: {  	s2 =	rddreg [dreg:$0x2]  }
0x4: {  	s3 =	srdreg.scid;
	s0 =	rddreg [dreg:$0x3]  }
0x5: {  	s4 =	simm.s32 $0x0;
	s15 =	simm.s32 $0x64;
	s16 =	simm.s32 $0x2000  }
0x6: {  	s17 =	simm.s32 $0x5400;
	s18 =	simm.s32 $0x1;
	s19 =	simm.s32 $0x2  }
0x7: {  	s20 =	simm.s32 $0x1C00;
	s8 =	sand.u32 $0x1, s3;
	s3 =	stileid.u32  }
0x8: {  	[smem:$0x7FF] =	sst s4;
	s5 =	sadd.s32 $0x87200, s7;
	s9 =	smul.u32 $0x140000, s8  }
0x9: {  	s6 =	sadd.s32 $0x36A00, s7;
	s11 =	sadd.s32 $0xEA00, s7;
	s10 =	smul.u32 $0x14000, s3  }
0xa: {  	_ =	strace $0x8000004A;
	s28 =	ssub.s32 $0x2, s8;
	s13 =	smul.u32 $0x50000, s3  }
0xb: {  	p0 =	seq.s32 s8, $0x0;
	s8 =	sshll.u32 s8, $0xF;
	s30 =	sshll.u32 s3, $0xB  }
0xc: {  	s14 =	smul.u32 $0x2800, s3;
	s31 =	sshll.u32 s3, $0x6;
	s12 =	sshrl.u32 s28, $0x1  }
0xd: {  	s11 =	smov.u32 @p0 s6;
	s9 =	sadd.s32 s10, s9;
	s29 =	sshrl.u32 s13, $0x2  }
0xe: {  	s10 =	ssub.s32 s28, s12;
	s9 =	sshrl.u32 s9, $0x3;
	s13 =	sadd.s32 s29, s2  }
0xf: {  	s9 =	sadd.s32 s9, s7;
	s7 =	sor.u32 s30, s8;
	s12 =	sshrl.u32 s13, $0x3  }
0x10: {  	s13 =	simm.s32 $0x3;
	s8 =	sadd.s32 $0x97200, s9;
	s9 =	smax.u32 s10, $0x1  }
0x11: {  	s10 =	sadd.s32 s11, s14;
	s11 =	sor.u32 $0x1C03, s31;
	s14 =	simm.s32 $0x1000  }
.LBB2_1:
0x12: {  	[spmem:s12], [sflag:s11] =	dma.local [hbm:s10], $0x2800  }
0x13: {  	_ =	swait.ge [sflag:s13], $0x2800  }
0x14: {  	[sflag:s13] =	ssyncset.done $0x0  }
0x15: {  	[sflag:s13] =	ssyncadd.s32 $0xFFFFD800  }
0x16: {  	s21 =	simm.s32 $0x0;
	[bflag:$0x0] =	sbarrier.arrive $0xFFFF  }
.LBB2_2:
0x17: {  	s22 =	sshll.u32 s21, $0x9  }
0x18: {  	s22 =	sadd.s32 s7, s22  }
0x19: {  	s24 =	simm.s32 $0x0;
	s23 =	sadd.s32 s1, s22  }
0x1a: {  	[tilespmem:s24], [sflag:$0x3] =	stream.linear.gather [hbm4b:s23+s24], $0xC80, $0x38;
	[tilespmem:$0x1C800] =	vst v63  }
0x1b: {  	_ =	swait.ge [sflag:s13], $0xC80  }
0x1c: {  	[sflag:s13] =	ssyncset.done $0x0  }
0x1d: {  	s22 =	sadd.s32 s5, s22;
	[sflag:s13] =	ssyncadd.s32 $0xFFFFF380  }
0x1e: {  	[tilespmem:s14], [sflag:$0x3] =	stream.linear.gather [hbm4b:s22+s24], $0xC80, $0x38;
	[tilespmem:$0x1C800] =	vst v63  }
0x1f: {  	_ =	swait.ge [sflag:s13], $0xC80  }
0x20: {  	[sflag:s13] =	ssyncset.done $0x0  }
0x21: {  	[sflag:s13] =	ssyncadd.s32 $0xFFFFF380  }
0x22: {  	[tilespmem:s16], [sflag:$0x1] =	stream.indirect.gather [hbm4b:s6+s15], $0x80, s24, s15, $0xb8;
	[tilespmem:$0x1C800] =	vst v63  }
0x23: {  	s28 =	simm.s32 $0x80  }
0x24: {  	[tilespmem:s17], [sflag:$0x2] =	stream.indirect.gather [hbm4b:s6+s15], $0x80, s28, s15, $0xb8;
	[tilespmem:$0x1C800] =	vst v63  }
0x25: {  	_ =	swait.ge [sflag:s18], $0x3200  }
0x26: {  	[sflag:s18] =	ssyncset.done $0x0  }
0x27: {  	s29 =	simm.s32 $0x1000;
	[sflag:s18] =	ssyncadd.s32 $0xFFFFCE00  }
0x28: {  	[spmem:s2] =	stream.indirect.scatter.add.f32 [tilespmem:s16], [sflag:$0x3], $0x80, s29, s15, $0xb8;
	[tilespmem:$0x1C800] =	vst v63  }
0x29: {  	_ =	swait.ge [sflag:s13], $0x3200  }
0x2a: {  	[sflag:s13] =	ssyncset.done $0x0  }
0x2b: {  	s30 =	simm.s32 $0x100;
	[sflag:s13] =	ssyncadd.s32 $0xFFFFCE00  }
0x2c: {  	[tilespmem:s16], [sflag:$0x1] =	stream.indirect.gather [hbm4b:s6+s15], $0x80, s30, s15, $0xb8;
	[tilespmem:$0x1C800] =	vst v63  }
0x2d: {  	_ =	swait.ge [sflag:s19], $0x3200  }
0x2e: {  	[sflag:s19] =	ssyncset.done $0x0  }
0x2f: {  	s31 =	simm.s32 $0x1080;
	[sflag:s19] =	ssyncadd.s32 $0xFFFFCE00  }
0x30: {  	[spmem:s2] =	stream.indirect.scatter.add.f32 [tilespmem:s17], [sflag:$0x3], $0x80, s31, s15, $0xb8;
	[tilespmem:$0x1C800] =	vst v63  }
0x31: {  	_ =	swait.ge [sflag:s13], $0x3200  }
0x32: {  	s23 =	simm.s32 $0x800;
	s22 =	simm.s32 $0x100;
	[sflag:s13] =	ssyncset.done $0x0  }
.LBB2_3:
0x33: {  	s24 =	sadd.s32 $0x80, s22  }
0x34: {  	[sflag:s13] =	ssyncadd.s32 $0xFFFFCE00;
	s25 =	smov.u32 s23;
	s26 =	sadd.s32 $0x400, s23  }
0x35: {  	[tilespmem:s17], [sflag:$0x2] =	stream.indirect.gather [hbm4b:s6+s15], $0x80, s24, s15, $0xb8;
	[tilespmem:$0x1C800] =	vst v63  }
0x36: {  	p0 =	sne.s32 s23, $0x2C00;
	_ =	swait.ge [sflag:s18], $0x3200  }
0x37: {  	[sflag:s18] =	ssyncset.done $0x0  }
0x38: {  	s23 =	sadd.s32 $0x1000, s22;
	[sflag:s18] =	ssyncadd.s32 $0xFFFFCE00  }
0x39: {  	[spmem:s2] =	stream.indirect.scatter.add.f32 [tilespmem:s16], [sflag:$0x3], $0x80, s23, s15, $0xb8;
	[tilespmem:$0x1C800] =	vst v63  }
0x3a: {  	_ =	swait.ge [sflag:s13], $0x3200  }
0x3b: {  	[sflag:s13] =	ssyncset.done $0x0  }
0x3c: {  	s23 =	sadd.s32 $0x100, s22;
	[sflag:s13] =	ssyncadd.s32 $0xFFFFCE00  }
0x3d: {  	[tilespmem:s16], [sflag:$0x1] =	stream.indirect.gather [hbm4b:s6+s15], $0x80, s23, s15, $0xb8;
	[tilespmem:$0x1C800] =	vst v63  }
0x3e: {  	_ =	swait.ge [sflag:s19], $0x3200  }
.Ltmp0:
0x3f: {  	[sflag:s19] =	ssyncset.done $0x0;
	(pc) =	sbr.rel @p0 .LBB2_3-.Ltmp0, $4  }
0x40: {  	s22 =	sadd.s32 $0x1080, s22;
	[sflag:s19] =	ssyncadd.s32 $0xFFFFCE00  }
0x41: {  	[spmem:s2] =	stream.indirect.scatter.add.f32 [tilespmem:s17], [sflag:$0x3], $0x80, s22, s15, $0xb8;
	[tilespmem:$0x1C800] =	vst v63  }
0x42: {  	_ =	swait.ge [sflag:s13], $0x3200  }
0x43: {  	s23 =	smov.u32 s26;
	s22 =	sshra.s32 s25, $0x2;
	[sflag:s13] =	ssyncset.done $0x0  }
0x44: {  	s23 =	sadd.s32 $0x80, s22;
	[sflag:s13] =	ssyncadd.s32 $0xFFFFCE00  }
0x45: {  	[tilespmem:s17], [sflag:$0x2] =	stream.indirect.gather [hbm4b:s6+s15], $0x80, s23, s15, $0xb8;
	[tilespmem:$0x1C800] =	vst v63  }
0x46: {  	_ =	swait.ge [sflag:s18], $0x3200  }
0x47: {  	[sflag:s18] =	ssyncset.done $0x0  }
0x48: {  	s29 =	sadd.s32 $0x1000, s22;
	[sflag:s18] =	ssyncadd.s32 $0xFFFFCE00  }
0x49: {  	[spmem:s2] =	stream.indirect.scatter.add.f32 [tilespmem:s16], [sflag:$0x3], $0x80, s29, s15, $0xb8;
	[tilespmem:$0x1C800] =	vst v63  }
0x4a: {  	_ =	swait.ge [sflag:s13], $0x3200  }
0x4b: {  	[sflag:s13] =	ssyncset.done $0x0  }
0x4c: {  	s30 =	sadd.s32 $0x100, s22;
	[sflag:s13] =	ssyncadd.s32 $0xFFFFCE00  }
0x4d: {  	[tilespmem:s16], [sflag:$0x1] =	stream.indirect.gather [hbm4b:s6+s15], $0x80, s30, s15, $0xb8;
	[tilespmem:$0x1C800] =	vst v63  }
0x4e: {  	_ =	swait.ge [sflag:s19], $0x3200  }
0x4f: {  	[sflag:s19] =	ssyncset.done $0x0  }
0x50: {  	s31 =	sadd.s32 $0x1080, s22;
	[sflag:s19] =	ssyncadd.s32 $0xFFFFCE00  }
0x51: {  	[spmem:s2] =	stream.indirect.scatter.add.f32 [tilespmem:s17], [sflag:$0x3], $0x80, s31, s15, $0xb8;
	[tilespmem:$0x1C800] =	vst v63  }
0x52: {  	_ =	swait.ge [sflag:s13], $0x3200  }
0x53: {  	[sflag:s13] =	ssyncset.done $0x0  }
0x54: {  	[sflag:s13] =	ssyncadd.s32 $0xFFFFCE00  }
0x55: {  	s21 =	sadd.s32 $0x1, s21;
	_ =	swait.ge [sflag:s18], $0x3200  }
0x56: {  	p0 =	sne.s32 s21, $0x4;
	[sflag:s18] =	ssyncset.done $0x0  }
.Ltmp1:
0x57: {  	[sflag:s18] =	ssyncadd.s32 $0xFFFFCE00;
	(pc) =	sbr.rel @p0 .LBB2_2-.Ltmp1, $4  }
0x58: {  	[spmem:s2] =	stream.indirect.scatter.add.f32 [tilespmem:s16], [sflag:$0x3], $0x80, s20, s15, $0xb8;
	[tilespmem:$0x1C800] =	vst v63  }
0x59: {  	_ =	swait.ge [sflag:s13], $0x3200  }
0x5a: {  	[sflag:s13] =	ssyncset.done $0x0  }
0x5b: {  	[sflag:s13] =	ssyncadd.s32 $0xFFFFCE00  }
0x5c: {  	s4 =	sadd.s32 $0x1, s4  }
0x5d: {  	p0 =	sne.s32 s4, s9  }
.Ltmp2:
0x5e: {  	[bflag:$0x0] =	sbarrier.arrive $0xFFFF;
	(pc) =	sbr.rel @p0 .LBB2_1-.Ltmp2, $4  }
0x5f: {  	[hbm:s8], [sflag:s11] =	dma.local [spmem:s12], $0x2800  }
0x60: {  	_ =	swait.ge [sflag:s13], $0x2800  }
0x61: {  	[sflag:s13] =	ssyncset.done $0x0  }
0x62: {  	[sflag:s13] =	ssyncadd.s32 $0xFFFFD800  }
0x63: {  	_ =	sfence.sel $0x180000  }
0x64: {  	[bflag:$0x0] =	sbarrier.arrive $0xFFFF  }
0x65: {  	p0 =	sne.s32 s3, $0x0;
	_ =	strace $0x9000004A  }
0x66: {  	s0 =	sadd.s32 @!p0 $0x100000, s0;
	[bflag:$0x2] =	sbarrier.arrive $0xFFFF  }
0x67: {  	[sflag:s0] =	ssyncadd.tile.s32 @!p0 $0x1;
	_ =	shalt  }
.Lfunc_end2:
_tile_overlayer_lowered:
.L_overlay_start_2:
0x68: {  	(tag) =	ssettag $0x2  }
0x69: {  	s0 =	rddreg [dreg:$0x0];
	s2 =	stileid.u32  }
0x6a: {  	s1 =	rddreg [dreg:$0x1];
	p0 =	sne.s32 s2, $0x0  }
0x6b: {  	s3 =	rddreg [dreg:$0x2];
	[bflag:$0x3] =	sbarrier.arrive $0xFFFF;
	s2 =	simm.s32 @!p0 $0x1C03  }
0x6c: {  	[timem:s3], [sflag:s2] =	dma.local @!p0 [hbm:s0], s1  }
0x6d: {  	s0 =	simm.s32 @!p0 $0x3  }
0x6e: {  	_ =	swait.ge @!p0 [sflag:s0], s1  }
0x6f: {  	s1 =	ssub.s32 @!p0 $0x0, s1;
	[sflag:s0] =	ssyncset.done @!p0 $0x0  }
0x70: {  	[sflag:s0] =	ssyncadd.s32 @!p0 s1  }
0x71: {  	[bflag:$0x3] =	sbarrier.arrive $0xFFFF  }
0x72: {  	_ =	shalt  }

// kernel: kernel.14.cloned.1.call-start
scs
__scs_entry_jumppad:
0x0: {  	(pc) =	sbr.rel $0x88, $3  }
0x1: {  	(tag) =	ssettag $0x0;
	lr =	simm.s32 $0x1  }
0x2: {  	[smem:$0x3F9B] =	sst lr;
	_ =	strace $0xD0000000  }
0x3: {  	_ = 	snop  }
0x4: {  	_ = 	snop  }
0x5: {  	_ = 	snop  }
0x6: {  	_ = 	snop  }
0x7: {  	_ = 	snop  }
__scs_overlays_trampoline_lowered:
0x8: {  	[smem:$0x3FAA] =	sst s0  }
0x9: {  	[smem:$0x3FAB] =	sst s1  }
0xa: {  	[smem:$0x3FAC] =	sst s2  }
0xb: {  	[smem:$0x3FAD] =	sst s3  }
0xc: {  	[smem:$0x3FAE] =	sst s4  }
0xd: {  	[smem:$0x3FAF] =	sst s5  }
0xe: {  	[smem:$0x3FB0] =	sst s6  }
0xf: {  	[smem:$0x3FB1] =	sst s7  }
0x10: {  	[smem:$0x3FB2] =	sst s8  }
0x11: {  	[smem:$0x3FB3] =	sst s9;
	s0 =	simm.s32 @!p0 $0x0  }
0x12: {  	s1 =	sld [smem:$0x3F99];
	s0 =	simm.s32 @p0 $0x1  }
0x13: {  	[smem:$0x3FB4] =	sst s0;
	s0 =	simm.s32 @!p1 $0x0  }
0x14: {  	s2 =	sld [smem:$0x3F98];
	s0 =	simm.s32 @p1 $0x1  }
0x15: {  	[smem:$0x3FB5] =	sst s0;
	s0 =	simm.s32 @!p2 $0x0  }
0x16: {  	s3 =	sld [smem:$0x3FDB];
	s0 =	simm.s32 @p2 $0x1  }
0x17: {  	s4 =	simm.s32 $0x1BF5;
	[smem:$0x3FB7] =	sst s0  }
0x18: {  	s0 =	sld [smem:$0x3F9A];
	_ =	swait.ge [sflag:s4], $0x0  }
0x19: {  	s7 =	sld [smem:$0x3F9B]  }
0x1a: {  	s8 =	sadd.s32 $0xFFFFE003, lr  }
0x1b: {  	s9 =	sadd.s32 $0xFFFFFEF7, lr;
	s5 =	simm.s32 $0xFFFFFFFF;
	p2 =	slt.u32 s8, $0xFFFFF086  }
0x1c: {  	p1 =	slt.u32 s9, $0xF7A;
	s5 =	simm.s32 @!p2 $0x0  }
0x1d: {  	s5 =	simm.s32 @p1 $0x1;
	p0 =	seq.s32 s7, s2  }
0x1e: {  	s7 =	smul.u32 @!p0 $0xF7A, s2;
	p2 =	seq.s32 @!p0 s5, $0x0  }
0x1f: {  	s9 =	smul.u32 $0xF7A, s1;
	s8 =	simm.s32 @!p0 $0x1BF5;
	p2 =	por !p2, p0  }
0x20: {  	[sflag:s8] =	ssyncset.s32 @!p0 $0xFFFFF086;
	s6 =	sadd.s32 @!p0 s3, s7;
	s7 =	simm.s32 @!p0 $0x108  }
0x21: {  	s3 =	sadd.s32 s3, s9;
	s6 =	sadd.s32 @!p0 $0x88, s6;
	s7 =	simm.s32 @p2 $0x1082  }
0x22: {  	[simem:s7], [sflag:s8] =	dma.local @!p0 [hbm:s6], $0xF7A  }
0x23: {  	s9 =	sor.u32 $0xD0000000, s2;
	s6 =	simm.s32 $0x108;
	_ =	swait.ge @!p0 [sflag:s8], $0x0  }
0x24: {  	s3 =	sadd.s32 $0x88, s3;
	s6 =	simm.s32 @!p1 $0x1082;
	[sflag:s4] =	ssyncset.s32 $0xFFFFF086  }
0x25: {  	[simem:s6], [sflag:s4] =	dma.local [hbm:s3], $0xF7A  }
0x26: {  	[smem:$0x3F9B] =	sst s1;
	(tag) =	ssettag s2;
	_ =	strace s9  }
0x27: {  	s1 =	sld [smem:$0x3FAB]  }
0x28: {  	s2 =	sld [smem:$0x3FAC]  }
0x29: {  	s4 =	sld [smem:$0x3FAE]  }
0x2a: {  	p0 =	seq.s32 s5, $0x0;
	s5 =	sld [smem:$0x3FAF]  }
0x2b: {  	s6 =	sld [smem:$0x3FB0]  }
0x2c: {  	s7 =	sld [smem:$0x3FB1]  }
0x2d: {  	s3 =	simm.s32 $0x108;
	s8 =	sld [smem:$0x3FB2]  }
0x2e: {  	s3 =	simm.s32 @!p0 $0x1082;
	s9 =	sld [smem:$0x3FB3]  }
0x2f: {  	lr =	sadd.s32 s0, s3;
	s0 =	sld [smem:$0x3FAA]  }
0x30: {  	s3 =	sld [smem:$0x3FAD]  }
0x31: {  	[smem:$0x3FB6] =	sst s10  }
0x32: {  	s10 =	sld [smem:$0x3FB4];
	_ =	sdelay $0x3  }
0x33: {  	p0 =	seq.s32 s10, $0x1;
	s10 =	sld [smem:$0x3FB6];
	_ =	sdelay $0x3  }
0x34: {  	[smem:$0x3FB6] =	sst s10  }
0x35: {  	s10 =	sld [smem:$0x3FB5];
	_ =	sdelay $0x3  }
0x36: {  	p1 =	seq.s32 s10, $0x1;
	s10 =	sld [smem:$0x3FB6];
	_ =	sdelay $0x3  }
0x37: {  	[smem:$0x3FB6] =	sst s10  }
0x38: {  	s10 =	sld [smem:$0x3FB7]  }
0x39: {  	_ = 	snop;
	(pc) =	sbr.ind lr, $3  }
0x3a: {  	_ = 	snop  }
0x3b: {  	_ = 	snop  }
0x3c: {  	p2 =	seq.s32 s10, $0x1;
	s10 =	sld [smem:$0x3FB6]  }
0x3d: {  	_ =	shalt  }
0x3e: {  	_ =	shalt  }
0x3f: {  	_ =	shalt  }
0x40: {  	_ =	shalt  }
0x41: {  	_ =	shalt  }
0x42: {  	_ =	shalt  }
0x43: {  	_ =	shalt  }
0x44: {  	_ =	shalt  }
0x45: {  	_ =	shalt  }
0x46: {  	_ =	shalt  }
0x47: {  	_ =	shalt  }
0x48: {  	_ =	shalt  }
0x49: {  	_ =	shalt  }
0x4a: {  	_ =	shalt  }
0x4b: {  	_ =	shalt  }
0x4c: {  	_ =	shalt  }
0x4d: {  	_ =	shalt  }
0x4e: {  	_ =	shalt  }
0x4f: {  	_ =	shalt  }
0x50: {  	_ =	shalt  }
0x51: {  	_ =	shalt  }
0x52: {  	_ =	shalt  }
0x53: {  	_ =	shalt  }
0x54: {  	_ =	shalt  }
0x55: {  	_ =	shalt  }
0x56: {  	_ =	shalt  }
0x57: {  	_ =	shalt  }
0x58: {  	_ =	shalt  }
0x59: {  	_ =	shalt  }
0x5a: {  	_ =	shalt  }
0x5b: {  	_ =	shalt  }
0x5c: {  	_ =	shalt  }
0x5d: {  	_ =	shalt  }
0x5e: {  	_ =	shalt  }
0x5f: {  	_ =	shalt  }
0x60: {  	_ =	shalt  }
0x61: {  	_ =	shalt  }
0x62: {  	_ =	shalt  }
0x63: {  	_ =	shalt  }
0x64: {  	_ =	shalt  }
0x65: {  	_ =	shalt  }
0x66: {  	_ =	shalt  }
0x67: {  	_ =	shalt  }
0x68: {  	_ =	shalt  }
0x69: {  	_ =	shalt  }
0x6a: {  	_ =	shalt  }
0x6b: {  	_ =	shalt  }
0x6c: {  	_ =	shalt  }
0x6d: {  	_ =	shalt  }
0x6e: {  	_ =	shalt  }
0x6f: {  	_ =	shalt  }
0x70: {  	_ =	shalt  }
0x71: {  	_ =	shalt  }
0x72: {  	_ =	shalt  }
0x73: {  	_ =	shalt  }
0x74: {  	_ =	shalt  }
0x75: {  	_ =	shalt  }
0x76: {  	_ =	shalt  }
0x77: {  	_ =	shalt  }
0x78: {  	_ =	shalt  }
0x79: {  	_ =	shalt  }
0x7a: {  	_ =	shalt  }
0x7b: {  	_ =	shalt  }
0x7c: {  	_ =	shalt  }
0x7d: {  	_ =	shalt  }
0x7e: {  	_ =	shalt  }
0x7f: {  	_ =	shalt  }
0x80: {  	_ =	shalt  }
0x81: {  	_ =	shalt  }
0x82: {  	_ =	shalt  }
0x83: {  	_ =	shalt  }
0x84: {  	_ =	shalt  }
0x85: {  	_ =	shalt  }
0x86: {  	_ =	shalt  }
0x87: {  	_ =	shalt  }
.Lfunc_end0:
.L_simem_size_0:
called_computation.2_lowered:
.L_overlay_start_0:
0x88: {  	s2 =	sld [smem:$0x3FD9]  }
0x89: {  	s3 =	sld [smem:$0x3FFE];
	_ =	sdelay $0x1  }
0x8a: {  	s1 =	srdreg.scid  }
0x8b: {  	s0 =	sand.u32 $0x1, s1  }
0x8c: {  	s17 =	sshll.u32 s0, $0xA;
	s2 =	sadd.s32 s3, s2  }
0x8d: {  	s2 =	sadd.s32 s2, s17  }
0x8e: {  	[smem:$0x3FC2] =	sst s2  }
0x8f: {  	_ = 	snop  }
0x90: {  	s2 =	sld [smem:$0x3FD0];
	(tm) =	ssettm $0x1  }
0x91: {  	s18 =	sld [smem:$0x3FFB];
	_ =	sdelay $0x3  }
0x92: {  	_ =	strace s18  }
0x93: {  	s3 =	sld [smem:$0x3FFC];
	_ =	sdelay $0x3  }
0x94: {  	_ =	strace s3  }
0x95: {  	s3 =	sld [smem:$0x3FFD];
	_ =	sdelay $0x3  }
0x96: {  	_ =	strace s3  }
0x97: {  	_ =	strace $0x8FFFFFFF  }
0x98: {  	s19 =	sld [smem:$0x3FDB];
	_ =	sdelay $0x1  }
0x99: {  	s4 =	simm.s32 $_scs_section_size  }
0x9a: {  	s5 =	simm.s32 $_size__tile_overlayer_lowered;
	s6 =	simm.s32 $_tile_overlayer_lowered  }
0x9b: {  	s22 =	simm.s32 $0x1BFF;
	s21 =	sshll.u32 s6, $0x1;
	s3 =	sadd.s32 s4, s19  }
0x9c: {  	s7 =	simm.s32 $0x0;
	s20 =	sshll.u32 s5, $0x1;
	s5 =	sadd.s32 s21, s3  }
0x9d: {  	[timem:s7], [sflag:s22] =	dma.local [hbm:s5], s20  }
0x9e: {  	_ =	swait.ge [sflag:s22], s20  }
0x9f: {  	s4 =	ssub.s32 $0x0, s20;
	[sflag:s22] =	ssyncset.done $0x0  }
0xa0: {  	[sflag:s22] =	ssyncadd.s32 s4;
	_ =	sdelay $0x1  }
0xa1: {  	s23 =	simm.s32 $0x1B8B  }
0xa2: {  	_ =	swait.ge [sflag:s23], $0x1  }
0xa3: {  	[sflag:s23] =	ssyncset.done $0x0  }
0xa4: {  	s25 =	simm.s32 $0x1B8E;
	s24 =	sld [smem:$0x3FFE];
	[sflag:s23] =	ssyncadd.s32 $0xFFFFFFFF  }
0xa5: {  	s26 =	simm.s32 $execute0_lowered;
	[smem:$0x3FD2] =	sst s25  }
0xa6: {  	s5 =	sshll.u32 s26, $0x1;
	_ =	strace $0x8000004C;
	[dreg:$0x1] =	wrdreg $0xFFFFFFFF  }
0xa7: {  	s28 =	simm.s32 $_size_execute0_lowered;
	s3 =	sadd.s32 s3, s5;
	[dreg:$0x0] =	wrdreg $0x0  }
0xa8: {  	s5 =	sshll.u32 s28, $0x1;
	[dreg:$0x2] =	wrdreg s3  }
0xa9: {  	[dreg:$0x3] =	wrdreg s5  }
0xaa: {  	[dreg:$0x4] =	wrdreg $0xC0  }
0xab: {  	_ =	task [dreg:s7], $0x5FFFF  }
0xac: {  	[dreg:$0x1] =	wrdreg $0xFFFFFFFF  }
0xad: {  	[dreg:$0x0] =	wrdreg $0x60  }
0xae: {  	[dreg:$0x2] =	wrdreg s2  }
0xaf: {  	[dreg:$0x3] =	wrdreg s24  }
0xb0: {  	[dreg:$0x4] =	wrdreg $0x88000  }
0xb1: {  	[dreg:$0x5] =	wrdreg $0x9  }
0xb2: {  	_ =	task.clear_ibuf [dreg:s7], $0x6FFFF;
	_ =	strace $0x9000004C  }
0xb3: {  	s29 =	simm.s32 $0x9;
	_ =	strace $0x8000004E  }
0xb4: {  	_ =	swait.ge [sflag:s29], $0x1  }
0xb5: {  	[sflag:s29] =	ssyncadd.s32 $0xFFFFFFFF  }
0xb6: {  	_ =	strace $0x9000004E  }
0xb7: {  	_ =	sfence  }
0xb8: {  	s30 =	sld [smem:$0x0];
	_ =	sdelay $0x2  }
0xb9: {  	s31 =	sshll.u32 s1, $0xD;
	s1 =	sshrl.u32 s1, $0x2  }
0xba: {  	s3 =	sand.u32 $0x4000, s31;
	s1 =	sadd.s32 s1, s30  }
0xbb: {  	s0 =	sor.u32 s3, s0;
	s1 =	sshll.u32 s1, $0x11  }
0xbc: {  	s0 =	sor.u32 s1, s0  }
0xbd: {  	s0 =	sadd.s32 $0x8F2B, s0  }
0xbe: {  	[sflag:s0] =	ssyncadd.remote.s32 $0x1  }
0xbf: {  	_ =	sfence.sel $0xFFFF  }
0xc0: {  	[dreg:$0x0] =	wrdreg $0xFFFFFFFF;
	(pc) =	sbr.abs _section_cstart, $3  }
0xc1: {  	[dreg:$0x1] =	wrdreg $0xFFFFFFFF  }
0xc2: {  	_ =	task.clear_ibuf [dreg:s7], $0x2FFFF;
	_ =	strace $0x9FFFFFFF  }
0xc3: {  	(tm) =	ssettm $0x7FFFFFFF  }
tec
execute0_lowered:
.L_overlay_start_1:
0x0: {  	(tag) =	ssettag $0x1  }
0x1: {  	s1 =	rddreg [dreg:$0x0]  }
0x2: {  	s7 =	rddreg [dreg:$0x1]  }
0x3: {  	s2 =	rddreg [dreg:$0x2]  }
0x4: {  	s3 =	srdreg.scid;
	s0 =	rddreg [dreg:$0x3]  }
0x5: {  	s4 =	simm.s32 $0x0;
	s15 =	simm.s32 $0x64;
	s16 =	simm.s32 $0x2000  }
0x6: {  	s17 =	simm.s32 $0x5400;
	s18 =	simm.s32 $0x1;
	s19 =	simm.s32 $0x2  }
0x7: {  	s20 =	simm.s32 $0x1C00;
	s8 =	sand.u32 $0x1, s3;
	s3 =	stileid.u32  }
0x8: {  	[smem:$0x7FF] =	sst s4;
	s5 =	sadd.s32 $0x87200, s7;
	s9 =	smul.u32 $0x140000, s8  }
0x9: {  	s6 =	sadd.s32 $0x36A00, s7;
	s11 =	sadd.s32 $0xEA00, s7;
	s10 =	smul.u32 $0x14000, s3  }
0xa: {  	_ =	strace $0x8000004D;
	s28 =	ssub.s32 $0x2, s8;
	s13 =	smul.u32 $0x50000, s3  }
0xb: {  	p0 =	seq.s32 s8, $0x0;
	s8 =	sshll.u32 s8, $0xF;
	s30 =	sshll.u32 s3, $0xB  }
0xc: {  	s14 =	smul.u32 $0x2800, s3;
	s31 =	sshll.u32 s3, $0x6;
	s12 =	sshrl.u32 s28, $0x1  }
0xd: {  	s11 =	smov.u32 @p0 s6;
	s9 =	sadd.s32 s10, s9;
	s29 =	sshrl.u32 s13, $0x2  }
0xe: {  	s10 =	ssub.s32 s28, s12;
	s9 =	sshrl.u32 s9, $0x3;
	s13 =	sadd.s32 s29, s2  }
0xf: {  	s9 =	sadd.s32 s9, s7;
	s7 =	sor.u32 s30, s8;
	s12 =	sshrl.u32 s13, $0x3  }
0x10: {  	s13 =	simm.s32 $0x3;
	s8 =	sadd.s32 $0x97200, s9;
	s9 =	smax.u32 s10, $0x1  }
0x11: {  	s10 =	sadd.s32 s11, s14;
	s11 =	sor.u32 $0x1C03, s31;
	s14 =	simm.s32 $0x1000  }
.LBB2_1:
0x12: {  	[spmem:s12], [sflag:s11] =	dma.local [hbm:s10], $0x2800  }
0x13: {  	_ =	swait.ge [sflag:s13], $0x2800  }
0x14: {  	[sflag:s13] =	ssyncset.done $0x0  }
0x15: {  	[sflag:s13] =	ssyncadd.s32 $0xFFFFD800  }
0x16: {  	s21 =	simm.s32 $0x0;
	[bflag:$0x0] =	sbarrier.arrive $0xFFFF  }
.LBB2_2:
0x17: {  	s22 =	sshll.u32 s21, $0x9  }
0x18: {  	s22 =	sadd.s32 s7, s22  }
0x19: {  	s24 =	simm.s32 $0x0;
	s23 =	sadd.s32 s1, s22  }
0x1a: {  	[tilespmem:s24], [sflag:$0x3] =	stream.linear.gather [hbm4b:s23+s24], $0xC80, $0x38;
	[tilespmem:$0x1C800] =	vst v63  }
0x1b: {  	_ =	swait.ge [sflag:s13], $0xC80  }
0x1c: {  	[sflag:s13] =	ssyncset.done $0x0  }
0x1d: {  	s22 =	sadd.s32 s5, s22;
	[sflag:s13] =	ssyncadd.s32 $0xFFFFF380  }
0x1e: {  	[tilespmem:s14], [sflag:$0x3] =	stream.linear.gather [hbm4b:s22+s24], $0xC80, $0x38;
	[tilespmem:$0x1C800] =	vst v63  }
0x1f: {  	_ =	swait.ge [sflag:s13], $0xC80  }
0x20: {  	[sflag:s13] =	ssyncset.done $0x0  }
0x21: {  	[sflag:s13] =	ssyncadd.s32 $0xFFFFF380  }
0x22: {  	[tilespmem:s16], [sflag:$0x1] =	stream.indirect.gather [hbm4b:s6+s15], $0x80, s24, s15, $0xb8;
	[tilespmem:$0x1C800] =	vst v63  }
0x23: {  	s28 =	simm.s32 $0x80  }
0x24: {  	[tilespmem:s17], [sflag:$0x2] =	stream.indirect.gather [hbm4b:s6+s15], $0x80, s28, s15, $0xb8;
	[tilespmem:$0x1C800] =	vst v63  }
0x25: {  	_ =	swait.ge [sflag:s18], $0x3200  }
0x26: {  	[sflag:s18] =	ssyncset.done $0x0  }
0x27: {  	s29 =	simm.s32 $0x1000;
	[sflag:s18] =	ssyncadd.s32 $0xFFFFCE00  }
0x28: {  	[spmem:s2] =	stream.indirect.scatter.add.f32 [tilespmem:s16], [sflag:$0x3], $0x80, s29, s15, $0xb8;
	[tilespmem:$0x1C800] =	vst v63  }
0x29: {  	_ =	swait.ge [sflag:s13], $0x3200  }
0x2a: {  	[sflag:s13] =	ssyncset.done $0x0  }
0x2b: {  	s30 =	simm.s32 $0x100;
	[sflag:s13] =	ssyncadd.s32 $0xFFFFCE00  }
0x2c: {  	[tilespmem:s16], [sflag:$0x1] =	stream.indirect.gather [hbm4b:s6+s15], $0x80, s30, s15, $0xb8;
	[tilespmem:$0x1C800] =	vst v63  }
0x2d: {  	_ =	swait.ge [sflag:s19], $0x3200  }
0x2e: {  	[sflag:s19] =	ssyncset.done $0x0  }
0x2f: {  	s31 =	simm.s32 $0x1080;
	[sflag:s19] =	ssyncadd.s32 $0xFFFFCE00  }
0x30: {  	[spmem:s2] =	stream.indirect.scatter.add.f32 [tilespmem:s17], [sflag:$0x3], $0x80, s31, s15, $0xb8;
	[tilespmem:$0x1C800] =	vst v63  }
0x31: {  	_ =	swait.ge [sflag:s13], $0x3200  }
0x32: {  	s23 =	simm.s32 $0x800;
	s22 =	simm.s32 $0x100;
	[sflag:s13] =	ssyncset.done $0x0  }
.LBB2_3:
0x33: {  	s24 =	sadd.s32 $0x80, s22  }
0x34: {  	[sflag:s13] =	ssyncadd.s32 $0xFFFFCE00;
	s25 =	smov.u32 s23;
	s26 =	sadd.s32 $0x400, s23  }
0x35: {  	[tilespmem:s17], [sflag:$0x2] =	stream.indirect.gather [hbm4b:s6+s15], $0x80, s24, s15, $0xb8;
	[tilespmem:$0x1C800] =	vst v63  }
0x36: {  	p0 =	sne.s32 s23, $0x2C00;
	_ =	swait.ge [sflag:s18], $0x3200  }
0x37: {  	[sflag:s18] =	ssyncset.done $0x0  }
0x38: {  	s23 =	sadd.s32 $0x1000, s22;
	[sflag:s18] =	ssyncadd.s32 $0xFFFFCE00  }
0x39: {  	[spmem:s2] =	stream.indirect.scatter.add.f32 [tilespmem:s16], [sflag:$0x3], $0x80, s23, s15, $0xb8;
	[tilespmem:$0x1C800] =	vst v63  }
0x3a: {  	_ =	swait.ge [sflag:s13], $0x3200  }
0x3b: {  	[sflag:s13] =	ssyncset.done $0x0  }
0x3c: {  	s23 =	sadd.s32 $0x100, s22;
	[sflag:s13] =	ssyncadd.s32 $0xFFFFCE00  }
0x3d: {  	[tilespmem:s16], [sflag:$0x1] =	stream.indirect.gather [hbm4b:s6+s15], $0x80, s23, s15, $0xb8;
	[tilespmem:$0x1C800] =	vst v63  }
0x3e: {  	_ =	swait.ge [sflag:s19], $0x3200  }
.Ltmp0:
0x3f: {  	[sflag:s19] =	ssyncset.done $0x0;
	(pc) =	sbr.rel @p0 .LBB2_3-.Ltmp0, $4  }
0x40: {  	s22 =	sadd.s32 $0x1080, s22;
	[sflag:s19] =	ssyncadd.s32 $0xFFFFCE00  }
0x41: {  	[spmem:s2] =	stream.indirect.scatter.add.f32 [tilespmem:s17], [sflag:$0x3], $0x80, s22, s15, $0xb8;
	[tilespmem:$0x1C800] =	vst v63  }
0x42: {  	_ =	swait.ge [sflag:s13], $0x3200  }
0x43: {  	s23 =	smov.u32 s26;
	s22 =	sshra.s32 s25, $0x2;
	[sflag:s13] =	ssyncset.done $0x0  }
0x44: {  	s23 =	sadd.s32 $0x80, s22;
	[sflag:s13] =	ssyncadd.s32 $0xFFFFCE00  }
0x45: {  	[tilespmem:s17], [sflag:$0x2] =	stream.indirect.gather [hbm4b:s6+s15], $0x80, s23, s15, $0xb8;
	[tilespmem:$0x1C800] =	vst v63  }
0x46: {  	_ =	swait.ge [sflag:s18], $0x3200  }
0x47: {  	[sflag:s18] =	ssyncset.done $0x0  }
0x48: {  	s29 =	sadd.s32 $0x1000, s22;
	[sflag:s18] =	ssyncadd.s32 $0xFFFFCE00  }
0x49: {  	[spmem:s2] =	stream.indirect.scatter.add.f32 [tilespmem:s16], [sflag:$0x3], $0x80, s29, s15, $0xb8;
	[tilespmem:$0x1C800] =	vst v63  }
0x4a: {  	_ =	swait.ge [sflag:s13], $0x3200  }
0x4b: {  	[sflag:s13] =	ssyncset.done $0x0  }
0x4c: {  	s30 =	sadd.s32 $0x100, s22;
	[sflag:s13] =	ssyncadd.s32 $0xFFFFCE00  }
0x4d: {  	[tilespmem:s16], [sflag:$0x1] =	stream.indirect.gather [hbm4b:s6+s15], $0x80, s30, s15, $0xb8;
	[tilespmem:$0x1C800] =	vst v63  }
0x4e: {  	_ =	swait.ge [sflag:s19], $0x3200  }
0x4f: {  	[sflag:s19] =	ssyncset.done $0x0  }
0x50: {  	s31 =	sadd.s32 $0x1080, s22;
	[sflag:s19] =	ssyncadd.s32 $0xFFFFCE00  }
0x51: {  	[spmem:s2] =	stream.indirect.scatter.add.f32 [tilespmem:s17], [sflag:$0x3], $0x80, s31, s15, $0xb8;
	[tilespmem:$0x1C800] =	vst v63  }
0x52: {  	_ =	swait.ge [sflag:s13], $0x3200  }
0x53: {  	[sflag:s13] =	ssyncset.done $0x0  }
0x54: {  	[sflag:s13] =	ssyncadd.s32 $0xFFFFCE00  }
0x55: {  	s21 =	sadd.s32 $0x1, s21;
	_ =	swait.ge [sflag:s18], $0x3200  }
0x56: {  	p0 =	sne.s32 s21, $0x4;
	[sflag:s18] =	ssyncset.done $0x0  }
.Ltmp1:
0x57: {  	[sflag:s18] =	ssyncadd.s32 $0xFFFFCE00;
	(pc) =	sbr.rel @p0 .LBB2_2-.Ltmp1, $4  }
0x58: {  	[spmem:s2] =	stream.indirect.scatter.add.f32 [tilespmem:s16], [sflag:$0x3], $0x80, s20, s15, $0xb8;
	[tilespmem:$0x1C800] =	vst v63  }
0x59: {  	_ =	swait.ge [sflag:s13], $0x3200  }
0x5a: {  	[sflag:s13] =	ssyncset.done $0x0  }
0x5b: {  	[sflag:s13] =	ssyncadd.s32 $0xFFFFCE00  }
0x5c: {  	s4 =	sadd.s32 $0x1, s4  }
0x5d: {  	p0 =	sne.s32 s4, s9  }
.Ltmp2:
0x5e: {  	[bflag:$0x0] =	sbarrier.arrive $0xFFFF;
	(pc) =	sbr.rel @p0 .LBB2_1-.Ltmp2, $4  }
0x5f: {  	[hbm:s8], [sflag:s11] =	dma.local [spmem:s12], $0x2800  }
0x60: {  	_ =	swait.ge [sflag:s13], $0x2800  }
0x61: {  	[sflag:s13] =	ssyncset.done $0x0  }
0x62: {  	[sflag:s13] =	ssyncadd.s32 $0xFFFFD800  }
0x63: {  	_ =	sfence.sel $0x180000  }
0x64: {  	[bflag:$0x0] =	sbarrier.arrive $0xFFFF  }
0x65: {  	p0 =	sne.s32 s3, $0x0;
	_ =	strace $0x9000004D  }
0x66: {  	s0 =	sadd.s32 @!p0 $0x100000, s0;
	[bflag:$0x2] =	sbarrier.arrive $0xFFFF  }
0x67: {  	[sflag:s0] =	ssyncadd.tile.s32 @!p0 $0x1;
	_ =	shalt  }
.Lfunc_end2:
_tile_overlayer_lowered:
.L_overlay_start_2:
0x68: {  	(tag) =	ssettag $0x2  }
0x69: {  	s0 =	rddreg [dreg:$0x0];
	s2 =	stileid.u32  }
0x6a: {  	s1 =	rddreg [dreg:$0x1];
	p0 =	sne.s32 s2, $0x0  }
0x6b: {  	s3 =	rddreg [dreg:$0x2];
	[bflag:$0x3] =	sbarrier.arrive $0xFFFF;
	s2 =	simm.s32 @!p0 $0x1C03  }
0x6c: {  	[timem:s3], [sflag:s2] =	dma.local @!p0 [hbm:s0], s1  }
0x6d: {  	s0 =	simm.s32 @!p0 $0x3  }
0x6e: {  	_ =	swait.ge @!p0 [sflag:s0], s1  }
0x6f: {  	s1 =	ssub.s32 @!p0 $0x0, s1;
	[sflag:s0] =	ssyncset.done @!p0 $0x0  }
0x70: {  	[sflag:s0] =	ssyncadd.s32 @!p0 s1  }
0x71: {  	[bflag:$0x3] =	sbarrier.arrive $0xFFFF  }
0x72: {  	_ =	shalt  }

// kernel: kernel.8.cloned.1.call-start
scs
__scs_entry_jumppad:
0x0: {  	(pc) =	sbr.rel $0x88, $3  }
0x1: {  	(tag) =	ssettag $0x0;
	lr =	simm.s32 $0x1  }
0x2: {  	[smem:$0x3F9B] =	sst lr;
	_ =	strace $0xD0000000  }
0x3: {  	_ = 	snop  }
0x4: {  	_ = 	snop  }
0x5: {  	_ = 	snop  }
0x6: {  	_ = 	snop  }
0x7: {  	_ = 	snop  }
__scs_overlays_trampoline_lowered:
0x8: {  	[smem:$0x3FAA] =	sst s0  }
0x9: {  	[smem:$0x3FAB] =	sst s1  }
0xa: {  	[smem:$0x3FAC] =	sst s2  }
0xb: {  	[smem:$0x3FAD] =	sst s3  }
0xc: {  	[smem:$0x3FAE] =	sst s4  }
0xd: {  	[smem:$0x3FAF] =	sst s5  }
0xe: {  	[smem:$0x3FB0] =	sst s6  }
0xf: {  	[smem:$0x3FB1] =	sst s7  }
0x10: {  	[smem:$0x3FB2] =	sst s8  }
0x11: {  	[smem:$0x3FB3] =	sst s9;
	s0 =	simm.s32 @!p0 $0x0  }
0x12: {  	s1 =	sld [smem:$0x3F99];
	s0 =	simm.s32 @p0 $0x1  }
0x13: {  	[smem:$0x3FB4] =	sst s0;
	s0 =	simm.s32 @!p1 $0x0  }
0x14: {  	s2 =	sld [smem:$0x3F98];
	s0 =	simm.s32 @p1 $0x1  }
0x15: {  	[smem:$0x3FB5] =	sst s0;
	s0 =	simm.s32 @!p2 $0x0  }
0x16: {  	s3 =	sld [smem:$0x3FDB];
	s0 =	simm.s32 @p2 $0x1  }
0x17: {  	s4 =	simm.s32 $0x1BF5;
	[smem:$0x3FB7] =	sst s0  }
0x18: {  	s0 =	sld [smem:$0x3F9A];
	_ =	swait.ge [sflag:s4], $0x0  }
0x19: {  	s7 =	sld [smem:$0x3F9B]  }
0x1a: {  	s8 =	sadd.s32 $0xFFFFE003, lr  }
0x1b: {  	s9 =	sadd.s32 $0xFFFFFEF7, lr;
	s5 =	simm.s32 $0xFFFFFFFF;
	p2 =	slt.u32 s8, $0xFFFFF086  }
0x1c: {  	p1 =	slt.u32 s9, $0xF7A;
	s5 =	simm.s32 @!p2 $0x0  }
0x1d: {  	s5 =	simm.s32 @p1 $0x1;
	p0 =	seq.s32 s7, s2  }
0x1e: {  	s7 =	smul.u32 @!p0 $0xF7A, s2;
	p2 =	seq.s32 @!p0 s5, $0x0  }
0x1f: {  	s9 =	smul.u32 $0xF7A, s1;
	s8 =	simm.s32 @!p0 $0x1BF5;
	p2 =	por !p2, p0  }
0x20: {  	[sflag:s8] =	ssyncset.s32 @!p0 $0xFFFFF086;
	s6 =	sadd.s32 @!p0 s3, s7;
	s7 =	simm.s32 @!p0 $0x108  }
0x21: {  	s3 =	sadd.s32 s3, s9;
	s6 =	sadd.s32 @!p0 $0x88, s6;
	s7 =	simm.s32 @p2 $0x1082  }
0x22: {  	[simem:s7], [sflag:s8] =	dma.local @!p0 [hbm:s6], $0xF7A  }
0x23: {  	s9 =	sor.u32 $0xD0000000, s2;
	s6 =	simm.s32 $0x108;
	_ =	swait.ge @!p0 [sflag:s8], $0x0  }
0x24: {  	s3 =	sadd.s32 $0x88, s3;
	s6 =	simm.s32 @!p1 $0x1082;
	[sflag:s4] =	ssyncset.s32 $0xFFFFF086  }
0x25: {  	[simem:s6], [sflag:s4] =	dma.local [hbm:s3], $0xF7A  }
0x26: {  	[smem:$0x3F9B] =	sst s1;
	(tag) =	ssettag s2;
	_ =	strace s9  }
0x27: {  	s1 =	sld [smem:$0x3FAB]  }
0x28: {  	s2 =	sld [smem:$0x3FAC]  }
0x29: {  	s4 =	sld [smem:$0x3FAE]  }
0x2a: {  	p0 =	seq.s32 s5, $0x0;
	s5 =	sld [smem:$0x3FAF]  }
0x2b: {  	s6 =	sld [smem:$0x3FB0]  }
0x2c: {  	s7 =	sld [smem:$0x3FB1]  }
0x2d: {  	s3 =	simm.s32 $0x108;
	s8 =	sld [smem:$0x3FB2]  }
0x2e: {  	s3 =	simm.s32 @!p0 $0x1082;
	s9 =	sld [smem:$0x3FB3]  }
0x2f: {  	lr =	sadd.s32 s0, s3;
	s0 =	sld [smem:$0x3FAA]  }
0x30: {  	s3 =	sld [smem:$0x3FAD]  }
0x31: {  	[smem:$0x3FB6] =	sst s10  }
0x32: {  	s10 =	sld [smem:$0x3FB4];
	_ =	sdelay $0x3  }
0x33: {  	p0 =	seq.s32 s10, $0x1;
	s10 =	sld [smem:$0x3FB6];
	_ =	sdelay $0x3  }
0x34: {  	[smem:$0x3FB6] =	sst s10  }
0x35: {  	s10 =	sld [smem:$0x3FB5];
	_ =	sdelay $0x3  }
0x36: {  	p1 =	seq.s32 s10, $0x1;
	s10 =	sld [smem:$0x3FB6];
	_ =	sdelay $0x3  }
0x37: {  	[smem:$0x3FB6] =	sst s10  }
0x38: {  	s10 =	sld [smem:$0x3FB7]  }
0x39: {  	_ = 	snop;
	(pc) =	sbr.ind lr, $3  }
0x3a: {  	_ = 	snop  }
0x3b: {  	_ = 	snop  }
0x3c: {  	p2 =	seq.s32 s10, $0x1;
	s10 =	sld [smem:$0x3FB6]  }
0x3d: {  	_ =	shalt  }
0x3e: {  	_ =	shalt  }
0x3f: {  	_ =	shalt  }
0x40: {  	_ =	shalt  }
0x41: {  	_ =	shalt  }
0x42: {  	_ =	shalt  }
0x43: {  	_ =	shalt  }
0x44: {  	_ =	shalt  }
0x45: {  	_ =	shalt  }
0x46: {  	_ =	shalt  }
0x47: {  	_ =	shalt  }
0x48: {  	_ =	shalt  }
0x49: {  	_ =	shalt  }
0x4a: {  	_ =	shalt  }
0x4b: {  	_ =	shalt  }
0x4c: {  	_ =	shalt  }
0x4d: {  	_ =	shalt  }
0x4e: {  	_ =	shalt  }
0x4f: {  	_ =	shalt  }
0x50: {  	_ =	shalt  }
0x51: {  	_ =	shalt  }
0x52: {  	_ =	shalt  }
0x53: {  	_ =	shalt  }
0x54: {  	_ =	shalt  }
0x55: {  	_ =	shalt  }
0x56: {  	_ =	shalt  }
0x57: {  	_ =	shalt  }
0x58: {  	_ =	shalt  }
0x59: {  	_ =	shalt  }
0x5a: {  	_ =	shalt  }
0x5b: {  	_ =	shalt  }
0x5c: {  	_ =	shalt  }
0x5d: {  	_ =	shalt  }
0x5e: {  	_ =	shalt  }
0x5f: {  	_ =	shalt  }
0x60: {  	_ =	shalt  }
0x61: {  	_ =	shalt  }
0x62: {  	_ =	shalt  }
0x63: {  	_ =	shalt  }
0x64: {  	_ =	shalt  }
0x65: {  	_ =	shalt  }
0x66: {  	_ =	shalt  }
0x67: {  	_ =	shalt  }
0x68: {  	_ =	shalt  }
0x69: {  	_ =	shalt  }
0x6a: {  	_ =	shalt  }
0x6b: {  	_ =	shalt  }
0x6c: {  	_ =	shalt  }
0x6d: {  	_ =	shalt  }
0x6e: {  	_ =	shalt  }
0x6f: {  	_ =	shalt  }
0x70: {  	_ =	shalt  }
0x71: {  	_ =	shalt  }
0x72: {  	_ =	shalt  }
0x73: {  	_ =	shalt  }
0x74: {  	_ =	shalt  }
0x75: {  	_ =	shalt  }
0x76: {  	_ =	shalt  }
0x77: {  	_ =	shalt  }
0x78: {  	_ =	shalt  }
0x79: {  	_ =	shalt  }
0x7a: {  	_ =	shalt  }
0x7b: {  	_ =	shalt  }
0x7c: {  	_ =	shalt  }
0x7d: {  	_ =	shalt  }
0x7e: {  	_ =	shalt  }
0x7f: {  	_ =	shalt  }
0x80: {  	_ =	shalt  }
0x81: {  	_ =	shalt  }
0x82: {  	_ =	shalt  }
0x83: {  	_ =	shalt  }
0x84: {  	_ =	shalt  }
0x85: {  	_ =	shalt  }
0x86: {  	_ =	shalt  }
0x87: {  	_ =	shalt  }
.Lfunc_end0:
.L_simem_size_0:
called_computation_lowered:
.L_overlay_start_0:
0x88: {  	s2 =	sld [smem:$0x3FD9]  }
0x89: {  	s3 =	sld [smem:$0x3FFE];
	_ =	sdelay $0x1  }
0x8a: {  	s1 =	srdreg.scid  }
0x8b: {  	s0 =	sand.u32 $0x1, s1  }
0x8c: {  	s16 =	sshll.u32 s0, $0xA;
	s2 =	sadd.s32 s3, s2  }
0x8d: {  	s2 =	sadd.s32 s2, s16  }
0x8e: {  	[smem:$0x3FC2] =	sst s2  }
0x8f: {  	_ = 	snop  }
0x90: {  	(tm) =	ssettm $0x1  }
0x91: {  	s17 =	sld [smem:$0x3FFB];
	_ =	sdelay $0x3  }
0x92: {  	_ =	strace s17  }
0x93: {  	s2 =	sld [smem:$0x3FFC];
	_ =	sdelay $0x3  }
0x94: {  	_ =	strace s2  }
0x95: {  	s2 =	sld [smem:$0x3FFD];
	_ =	sdelay $0x3  }
0x96: {  	_ =	strace s2  }
0x97: {  	_ =	strace $0x8FFFFFFF  }
0x98: {  	s18 =	sld [smem:$0x3FDB];
	_ =	sdelay $0x1  }
0x99: {  	s19 =	simm.s32 $_scs_section_size  }
0x9a: {  	s4 =	simm.s32 $_size__tile_overlayer_lowered;
	s5 =	simm.s32 $_tile_overlayer_lowered  }
0x9b: {  	s22 =	simm.s32 $0x1BFF;
	s21 =	sshll.u32 s5, $0x1;
	s2 =	sadd.s32 s19, s18  }
0x9c: {  	s6 =	simm.s32 $0x0;
	s20 =	sshll.u32 s4, $0x1;
	s4 =	sadd.s32 s21, s2  }
0x9d: {  	[timem:s6], [sflag:s22] =	dma.local [hbm:s4], s20  }
0x9e: {  	_ =	swait.ge [sflag:s22], s20  }
0x9f: {  	s3 =	ssub.s32 $0x0, s20;
	[sflag:s22] =	ssyncset.done $0x0  }
0xa0: {  	[sflag:s22] =	ssyncadd.s32 s3;
	_ =	sdelay $0x1  }
0xa1: {  	s23 =	simm.s32 $0x1B8B  }
0xa2: {  	_ =	swait.ge [sflag:s23], $0x1  }
0xa3: {  	[sflag:s23] =	ssyncset.done $0x0  }
0xa4: {  	s25 =	simm.s32 $0x1B8E;
	s24 =	sld [smem:$0x3FFE];
	[sflag:s23] =	ssyncadd.s32 $0xFFFFFFFF  }
0xa5: {  	s26 =	simm.s32 $execute0_lowered;
	[smem:$0x3FD2] =	sst s25  }
0xa6: {  	s4 =	sshll.u32 s26, $0x1;
	_ =	strace $0x80000046;
	[dreg:$0x1] =	wrdreg $0xFFFFFFFF  }
0xa7: {  	s28 =	simm.s32 $_size_execute0_lowered;
	s2 =	sadd.s32 s2, s4;
	[dreg:$0x0] =	wrdreg $0x0  }
0xa8: {  	s4 =	sshll.u32 s28, $0x1;
	[dreg:$0x2] =	wrdreg s2  }
0xa9: {  	[dreg:$0x3] =	wrdreg s4  }
0xaa: {  	[dreg:$0x4] =	wrdreg $0xC0  }
0xab: {  	_ =	task [dreg:s6], $0x5FFFF  }
0xac: {  	[dreg:$0x1] =	wrdreg $0xFFFFFFFF  }
0xad: {  	[dreg:$0x0] =	wrdreg $0x60  }
0xae: {  	[dreg:$0x2] =	wrdreg s24  }
0xaf: {  	[dreg:$0x3] =	wrdreg $0x68000  }
0xb0: {  	[dreg:$0x4] =	wrdreg $0x9  }
0xb1: {  	_ =	task.clear_ibuf [dreg:s6], $0x5FFFF;
	_ =	strace $0x90000046  }
0xb2: {  	s29 =	simm.s32 $0x9;
	_ =	strace $0x80000048  }
0xb3: {  	_ =	swait.ge [sflag:s29], $0x1  }
0xb4: {  	[sflag:s29] =	ssyncadd.s32 $0xFFFFFFFF  }
0xb5: {  	_ =	strace $0x90000048  }
0xb6: {  	_ =	sfence  }
0xb7: {  	s30 =	sld [smem:$0x0];
	_ =	sdelay $0x2  }
0xb8: {  	s31 =	sshll.u32 s1, $0xD;
	s1 =	sshrl.u32 s1, $0x2  }
0xb9: {  	s3 =	sand.u32 $0x4000, s31;
	s1 =	sadd.s32 s1, s30  }
0xba: {  	s0 =	sor.u32 s3, s0;
	s1 =	sshll.u32 s1, $0x11  }
0xbb: {  	s0 =	sor.u32 s1, s0  }
0xbc: {  	s0 =	sadd.s32 $0x8F2B, s0  }
0xbd: {  	[sflag:s0] =	ssyncadd.remote.s32 $0x1  }
0xbe: {  	_ =	sfence.sel $0xFFFF  }
0xbf: {  	[dreg:$0x0] =	wrdreg $0xFFFFFFFF;
	(pc) =	sbr.abs _section_cstart, $3  }
0xc0: {  	[dreg:$0x1] =	wrdreg $0xFFFFFFFF  }
0xc1: {  	_ =	task.clear_ibuf [dreg:s6], $0x2FFFF;
	_ =	strace $0x9FFFFFFF  }
0xc2: {  	(tm) =	ssettm $0x7FFFFFFF  }
0xc3: {  	_ =	shalt  }
tec
execute0_lowered:
.L_overlay_start_1:
0x0: {  	(tag) =	ssettag $0x1  }
0x1: {  	s0 =	srdreg.scid;
	s6 =	rddreg [dreg:$0x0]  }
0x2: {  	s2 =	rddreg [dreg:$0x1];
	s5 =	sand.u32 $0x1, s0;
	s0 =	stileid.u32  }
0x3: {  	s3 =	simm.s32 $0x0;
	s14 =	simm.s32 $0x0;
	s7 =	smul.u32 $0x14000, s0  }
0x4: {  	[smem:$0x7FF] =	sst s3;
	s1 =	sshll.u32 s5, $0x4;
	s8 =	smul.u32 $0x140000, s5  }
0x5: {  	s5 =	ssub.s32 $0x2, s5;
	s29 =	smul.u32 $0x50000, s0;
	s31 =	sshll.u32 s0, $0x6  }
0x6: {  	s4 =	sor.u32 s0, s1;
	s1 =	rddreg [dreg:$0x2];
	_ =	strace $0x80000047  }
0x7: {  	s11 =	sshrl.u32 s5, $0x1;
	s4 =	smul.u32 $0x680, s4;
	s10 =	sshrl.u32 s7, $0x3  }
0x8: {  	s7 =	sadd.s32 s7, s8;
	s11 =	ssub.s32 s5, s11;
	s30 =	sshrl.u32 s29, $0x2  }
0x9: {  	s10 =	sadd.s32 s10, s6;
	s7 =	sshrl.u32 s7, $0x3;
	s13 =	sadd.s32 s30, s2  }
0xa: {  	s9 =	sadd.s32 s4, s6;
	s4 =	sadd.s32 $0x36A00, s6;
	s12 =	sadd.s32 s7, s6  }
0xb: {  	s5 =	sadd.s32 $0xEA00, s10;
	s6 =	sor.u32 $0x1C01, s31;
	s10 =	sshrl.u32 s13, $0x3  }
0xc: {  	s13 =	simm.s32 $0x64;
	s7 =	sadd.s32 $0x1A00, s9;
	s8 =	sadd.s32 $0x37200, s12  }
0xd: {  	s9 =	smax.u32 s11, $0x1;
	s11 =	simm.s32 $0x1;
	s12 =	simm.s32 $0x3400  }
.LBB2_1:
0xe: {  	[spmem:s10], [sflag:s6] =	dma.local [hbm:s5], $0x2800  }
0xf: {  	_ =	swait.ge [sflag:s11], $0x2800  }
0x10: {  	[sflag:s11] =	ssyncset.done $0x0  }
0x11: {  	[sflag:s11] =	ssyncadd.s32 $0xFFFFD800  }
0x12: {  	[tilespmem:s12], [sflag:$0x1] =	stream.linear.gather [hbm4b:s4+s3], $0x3200, $0x38;
	[tilespmem:$0x1A800] =	vst v63  }
0x13: {  	_ =	swait.ge [sflag:s11], $0x3200  }
0x14: {  	[sflag:s11] =	ssyncset.done $0x0  }
0x15: {  	[sflag:s11] =	ssyncadd.s32 $0xFFFFCE00  }
0x16: {  	[tilespmem:s3], [sflag:$0x1] =	stream.linear.gather [hbm4b:s7+s3], $0x3200, $0x38;
	[tilespmem:$0x1A800] =	vst v63  }
0x17: {  	_ =	swait.ge [sflag:s11], $0x3200  }
0x18: {  	[sflag:s11] =	ssyncset.done $0x0  }
0x19: {  	[sflag:s11] =	ssyncadd.s32 $0xFFFFCE00  }
0x1a: {  	s15 =	simm.s32 $0x0;
	[bflag:$0x0] =	sbarrier.arrive $0xFFFF  }
0x1b: {  	[spmem:s2] =	stream.indirect.scatter.add.f32 [tilespmem:s12], [sflag:$0x1], $0x80, s15, s13, $0xb8;
	[tilespmem:$0x1A800] =	vst v63  }
0x1c: {  	_ =	swait.ge [sflag:s11], $0x3200  }
0x1d: {  	s15 =	simm.s32 $0x200;
	[sflag:s11] =	ssyncset.done $0x0  }
.LBB2_2:
0x1e: {  	s16 =	sshra.s32 s15, $0x2;
	[sflag:s11] =	ssyncadd.s32 $0xFFFFCE00;
	p0 =	sne.s32 s15, $0xC600  }
0x1f: {  	[spmem:s2] =	stream.indirect.scatter.add.f32 [tilespmem:s12], [sflag:$0x1], $0x80, s16, s13, $0xb8;
	[tilespmem:$0x1A800] =	vst v63  }
.Ltmp0:
0x20: {  	_ = 	snop;
	(pc) =	sbr.rel @p0 .LBB2_2-.Ltmp0, $4  }
0x21: {  	_ = 	snop  }
0x22: {  	s15 =	sadd.s32 $0x200, s15  }
0x23: {  	_ =	swait.ge [sflag:s11], $0x3200  }
0x24: {  	[sflag:s11] =	ssyncset.done $0x0  }
0x25: {  	s14 =	sadd.s32 $0x1, s14  }
0x26: {  	[sflag:s11] =	ssyncadd.s32 $0xFFFFCE00;
	p0 =	sne.s32 s14, s9  }
.Ltmp1:
0x27: {  	[bflag:$0x0] =	sbarrier.arrive $0xFFFF;
	(pc) =	sbr.rel @p0 .LBB2_1-.Ltmp1, $4  }
0x28: {  	[hbm:s8], [sflag:s6] =	dma.local [spmem:s10], $0x2800  }
0x29: {  	_ =	swait.ge [sflag:s11], $0x2800  }
0x2a: {  	[sflag:s11] =	ssyncset.done $0x0  }
0x2b: {  	[sflag:s11] =	ssyncadd.s32 $0xFFFFD800  }
0x2c: {  	_ =	sfence.sel $0x180000  }
0x2d: {  	[bflag:$0x0] =	sbarrier.arrive $0xFFFF  }
0x2e: {  	p0 =	sne.s32 s0, $0x0;
	_ =	strace $0x90000047  }
0x2f: {  	s0 =	sadd.s32 @!p0 $0x100000, s1;
	[bflag:$0x2] =	sbarrier.arrive $0xFFFF  }
0x30: {  	[sflag:s0] =	ssyncadd.tile.s32 @!p0 $0x1;
	_ =	shalt  }
.Lfunc_end2:
_tile_overlayer_lowered:
.L_overlay_start_2:
0x31: {  	(tag) =	ssettag $0x2  }
0x32: {  	s0 =	rddreg [dreg:$0x0];
	s2 =	stileid.u32  }
0x33: {  	s1 =	rddreg [dreg:$0x1];
	p0 =	sne.s32 s2, $0x0  }
0x34: {  	s3 =	rddreg [dreg:$0x2];
	[bflag:$0x3] =	sbarrier.arrive $0xFFFF;
	s2 =	simm.s32 @!p0 $0x1C01  }
0x35: {  	[timem:s3], [sflag:s2] =	dma.local @!p0 [hbm:s0], s1  }
0x36: {  	s0 =	simm.s32 @!p0 $0x1  }
0x37: {  	_ =	swait.ge @!p0 [sflag:s0], s1  }
0x38: {  	s1 =	ssub.s32 @!p0 $0x0, s1;
	[sflag:s0] =	ssyncset.done @!p0 $0x0  }
0x39: {  	[sflag:s0] =	ssyncadd.s32 @!p0 s1  }
0x3a: {  	[bflag:$0x3] =	sbarrier.arrive $0xFFFF  }
0x3b: {  	_ =	shalt  }

</sc_bundles>
